<compile_context>
chip_gen: v7x
topology: tpu7x:2x2x1
jax: 0.10.2.dev20260603
libtpu: 0.0.44.dev20260713+nightly
codegen_flags: <defaults>
</compile_context>

<pallas_src>
import functools

import jax
import jax.numpy as jnp
from jax import lax
from jax.experimental import pallas as pl
from jax.experimental.pallas import tpu as pltpu
from jax.experimental.pallas import tpu_sc as plsc

D_MODEL = 64
NW = 32
NBUF = 8


def _embed_body(xp_hbm, table_hbm, out_hbm, idx_v, rows_v, *sems):
    wid = lax.axis_index("s") * 2 + lax.axis_index("c")
    steps = idx_v.shape[0]
    n_cols = out_hbm.shape[1]
    base = wid * steps

    pltpu.sync_copy(xp_hbm.at[pl.ds(base, steps)], idx_v)

    def gather(step, buf):
        return pltpu.async_copy(
            table_hbm.at[idx_v.at[step].at[pl.ds(0, n_cols)]],
            rows_v.at[buf],
            sems[buf],
        )

    for b in range(NBUF):
        gather(b, b)

    def outer(o, carry):
        for b in range(NBUF):
            step = o * NBUF + b
            pltpu.make_async_copy(
                table_hbm.at[idx_v.at[0].at[pl.ds(0, n_cols)]],
                rows_v.at[b],
                sems[b],
            ).wait()
            pltpu.sync_copy(rows_v.at[b], out_hbm.at[base + step])
            nxt = step + NBUF

            @pl.when(nxt < steps)
            def _():
                gather(nxt, b)

        return carry

    lax.fori_loop(0, steps // NBUF, outer, 0)


def kernel(x, table):
    n_rows, n_cols = x.shape
    xi = x.astype(jnp.int32)
    xp = jnp.pad(xi, ((0, 0), (0, 128 - n_cols)))
    steps = n_rows // NW

    mesh = plsc.VectorSubcoreMesh(core_axis_name="c", subcore_axis_name="s")
    run = functools.partial(
        pl.kernel,
        mesh=mesh,
        compiler_params=pltpu.CompilerParams(use_tc_tiling_on_sc=False),
        out_type=jax.ShapeDtypeStruct((n_rows, n_cols, D_MODEL), jnp.float32),
        scratch_types=[
            pltpu.VMEM((steps, 128), jnp.int32),
            pltpu.VMEM((NBUF, n_cols, D_MODEL), jnp.float32),
        ]
        + [pltpu.SemaphoreType.DMA] * NBUF,
    )(_embed_body)

    return run(xp, table)

# --- scband reference (transcript-rebuilt; emitter-appended) ---
"""Pipeline reference for scband-token-embedding-61710090108964 (READ-ONLY COPY).

The authoritative reference and input builder live on the scoring server;
editing this copy changes nothing except your own understanding.
"""

import jax, jax.numpy as jnp
import numpy as np

VOCAB = 1000000
D_MODEL = 64

def setup_inputs(seed: int = 0) -> dict:
    key = jax.random.key(seed)
    k_idx, k_tab = jax.random.split(key)
    x = jax.random.randint(k_idx, (16384, 50), 0, VOCAB, dtype=jnp.int64)
    table = jax.random.normal(k_tab, (VOCAB, D_MODEL), dtype=jnp.float32) * 0.02
    return {"x": x, "table": table}

def reference(x, table):
    # nn.Embedding forward: row gather from the embedding table
    return jnp.take(table, x, axis=0)

if __name__ == "__main__":
    import jax
    _d = setup_inputs()
    print(jax.jit(kernel)(*tuple(_d.values())))

</pallas_src>

<mosaic_0001>
#map = affine_map<(d0, d1) -> (0, 0)>
#map1 = affine_map<(d0, d1) -> (0, 0, 0)>
module attributes {stable_mosaic.version = 14 : i64} {
  func.func @_embed_body(%arg0: i32, %arg1: i32, %arg2: memref<16384x128xi32, #tpu.memory_space<hbm>>, %arg3: memref<1000000x64xf32, #tpu.memory_space<hbm>>, %arg4: memref<16384x50x64xf32, #tpu.memory_space<hbm>>, %arg5: memref<512x128xi32, #tpu.memory_space<vmem>>, %arg6: memref<8x50x64xf32, #tpu.memory_space<vmem>>, %arg7: memref<!tpu.dma_semaphore, #tpu.memory_space<semaphore_mem>>, %arg8: memref<!tpu.dma_semaphore, #tpu.memory_space<semaphore_mem>>, %arg9: memref<!tpu.dma_semaphore, #tpu.memory_space<semaphore_mem>>, %arg10: memref<!tpu.dma_semaphore, #tpu.memory_space<semaphore_mem>>, %arg11: memref<!tpu.dma_semaphore, #tpu.memory_space<semaphore_mem>>, %arg12: memref<!tpu.dma_semaphore, #tpu.memory_space<semaphore_mem>>, %arg13: memref<!tpu.dma_semaphore, #tpu.memory_space<semaphore_mem>>, %arg14: memref<!tpu.dma_semaphore, #tpu.memory_space<semaphore_mem>>) attributes {dimension_semantics = [#tpu.dimension_semantics<core_parallel>, #tpu.dimension_semantics<subcore_parallel>], iteration_bounds = array<i64: 2, 16>, scalar_prefetch = 0 : i64, scratch_operands = 10 : i64, tpu.core_type = #tpu.core_type<sc_vector_subcore>, window_params = [{transform_indices = #map}, {transform_indices = #map}, {transform_indices = #map1}]} {
    %mul3A = arith.constant 2 : i32
    %mul3A_0 = arith.muli %arg1, %mul3A : i32
    %add3A = arith.addi %mul3A_0, %arg0 : i32
    %mul3A_1 = arith.constant 512 : i32
    %mul3A_2 = arith.muli %add3A, %mul3A_1 : i32
    "tpu.region"() ({
      %run_scoped3A = tpu.sem_alloc : memref<!tpu.dma_semaphore, #tpu.memory_space<semaphore_mem>>
      %dma_start3A_119 = arith.constant 0 : i32
      %dma_start3A_120 = tpu.memref_slice %arg2[%mul3A_2, %dma_start3A_119] : memref<16384x128xi32, #tpu.memory_space<hbm>> -> memref<512x128xi32, #tpu.memory_space<hbm>>
      %dma_start3A_121 = arith.constant 0 : i32
      %dma_start3A_122 = tpu.memref_slice %arg2[%mul3A_2, %dma_start3A_121] : memref<16384x128xi32, #tpu.memory_space<hbm>> -> memref<512x128xi32, #tpu.memory_space<hbm>>
      tpu.enqueue_dma source(%dma_start3A_122 : memref<512x128xi32, #tpu.memory_space<hbm>>) target(%arg5 : memref<512x128xi32, #tpu.memory_space<vmem>>) target_semaphore(%run_scoped3A : memref<!tpu.dma_semaphore, #tpu.memory_space<semaphore_mem>>)
      %dma_wait3A = arith.constant 0 : i32
      %dma_wait3A_123 = tpu.memref_slice %arg2[%mul3A_2, %dma_wait3A] : memref<16384x128xi32, #tpu.memory_space<hbm>> -> memref<512x128xi32, #tpu.memory_space<hbm>>
      %dma_wait3A_124 = arith.constant 0 : i32
      %dma_wait3A_125 = tpu.memref_slice %arg2[%mul3A_2, %dma_wait3A_124] : memref<16384x128xi32, #tpu.memory_space<hbm>> -> memref<512x128xi32, #tpu.memory_space<hbm>>
      tpu.wait_dma2 semaphore(%run_scoped3A : memref<!tpu.dma_semaphore, #tpu.memory_space<semaphore_mem>>) src(%dma_wait3A_125 : memref<512x128xi32, #tpu.memory_space<hbm>>) dst(%arg5 : memref<512x128xi32, #tpu.memory_space<vmem>>)
      tpu.yield
    }) : () -> ()
    %dma_start3A = arith.constant 0 : i32
    %dma_start3A_3 = arith.constant 0 : i32
    %dma_start3A_4 = arith.constant 0 : i32
    %dma_start3A_5 = arith.constant 0 : i32
    %dma_start3A_6 = tpu.memref_slice %arg6[%dma_start3A_3, %dma_start3A_4, %dma_start3A_5] : memref<8x50x64xf32, #tpu.memory_space<vmem>> -> memref<1x50x64xf32, #tpu.memory_space<vmem>>
    %dma_start3A_7 = tpu.memref_squeeze %dma_start3A_6 : memref<1x50x64xf32, #tpu.memory_space<vmem>> -> memref<50x64xf32, #tpu.memory_space<vmem>>
    %dma_start3A_8 = arith.constant 0 : i32
    %dma_start3A_9 = tpu.memref_slice %arg5[%dma_start3A, %dma_start3A_8] : memref<512x128xi32, #tpu.memory_space<vmem>> -> memref<1x128xi32, #tpu.memory_space<vmem>>
    %dma_start3A_10 = tpu.memref_squeeze %dma_start3A_9 : memref<1x128xi32, #tpu.memory_space<vmem>> -> memref<128xi32, #tpu.memory_space<vmem>>
    %dma_start3A_11 = arith.constant 0 : i32
    %dma_start3A_12 = tpu.memref_slice %dma_start3A_10[%dma_start3A_11] : memref<128xi32, #tpu.memory_space<vmem>> -> memref<50xi32, #tpu.memory_space<vmem>>
    %dma_start3A_13 = arith.constant 0 : i32
    %dma_start3A_14 = arith.constant 0 : i32
    %dma_start3A_15 = tpu.memref_slice %arg3[%dma_start3A_13, %dma_start3A_14] : memref<1000000x64xf32, #tpu.memory_space<hbm>> -> memref<1000000x64xf32, #tpu.memory_space<hbm>>
    tpu.enqueue_indirect_dma source(%dma_start3A_15 : memref<1000000x64xf32, #tpu.memory_space<hbm>>) target(%dma_start3A_7 : memref<50x64xf32, #tpu.memory_space<vmem>>) offsets(%dma_start3A_12 : memref<50xi32, #tpu.memory_space<vmem>>) semaphore(%arg7 : memref<!tpu.dma_semaphore, #tpu.memory_space<semaphore_mem>>)
    %dma_start3A_16 = arith.constant 1 : i32
    %dma_start3A_17 = arith.constant 1 : i32
    %dma_start3A_18 = arith.constant 0 : i32
    %dma_start3A_19 = arith.constant 0 : i32
    %dma_start3A_20 = tpu.memref_slice %arg6[%dma_start3A_17, %dma_start3A_18, %dma_start3A_19] : memref<8x50x64xf32, #tpu.memory_space<vmem>> -> memref<1x50x64xf32, #tpu.memory_space<vmem>>
    %dma_start3A_21 = tpu.memref_squeeze %dma_start3A_20 : memref<1x50x64xf32, #tpu.memory_space<vmem>> -> memref<50x64xf32, #tpu.memory_space<vmem>>
    %dma_start3A_22 = arith.constant 0 : i32
    %dma_start3A_23 = tpu.memref_slice %arg5[%dma_start3A_16, %dma_start3A_22] : memref<512x128xi32, #tpu.memory_space<vmem>> -> memref<1x128xi32, #tpu.memory_space<vmem>>
    %dma_start3A_24 = tpu.memref_squeeze %dma_start3A_23 : memref<1x128xi32, #tpu.memory_space<vmem>> -> memref<128xi32, #tpu.memory_space<vmem>>
    %dma_start3A_25 = arith.constant 0 : i32
    %dma_start3A_26 = tpu.memref_slice %dma_start3A_24[%dma_start3A_25] : memref<128xi32, #tpu.memory_space<vmem>> -> memref<50xi32, #tpu.memory_space<vmem>>
    %dma_start3A_27 = arith.constant 0 : i32
    %dma_start3A_28 = arith.constant 0 : i32
    %dma_start3A_29 = tpu.memref_slice %arg3[%dma_start3A_27, %dma_start3A_28] : memref<1000000x64xf32, #tpu.memory_space<hbm>> -> memref<1000000x64xf32, #tpu.memory_space<hbm>>
    tpu.enqueue_indirect_dma source(%dma_start3A_29 : memref<1000000x64xf32, #tpu.memory_space<hbm>>) target(%dma_start3A_21 : memref<50x64xf32, #tpu.memory_space<vmem>>) offsets(%dma_start3A_26 : memref<50xi32, #tpu.memory_space<vmem>>) semaphore(%arg8 : memref<!tpu.dma_semaphore, #tpu.memory_space<semaphore_mem>>)
    %dma_start3A_30 = arith.constant 2 : i32
    %dma_start3A_31 = arith.constant 2 : i32
    %dma_start3A_32 = arith.constant 0 : i32
    %dma_start3A_33 = arith.constant 0 : i32
    %dma_start3A_34 = tpu.memref_slice %arg6[%dma_start3A_31, %dma_start3A_32, %dma_start3A_33] : memref<8x50x64xf32, #tpu.memory_space<vmem>> -> memref<1x50x64xf32, #tpu.memory_space<vmem>>
    %dma_start3A_35 = tpu.memref_squeeze %dma_start3A_34 : memref<1x50x64xf32, #tpu.memory_space<vmem>> -> memref<50x64xf32, #tpu.memory_space<vmem>>
    %dma_start3A_36 = arith.constant 0 : i32
    %dma_start3A_37 = tpu.memref_slice %arg5[%dma_start3A_30, %dma_start3A_36] : memref<512x128xi32, #tpu.memory_space<vmem>> -> memref<1x128xi32, #tpu.memory_space<vmem>>
    %dma_start3A_38 = tpu.memref_squeeze %dma_start3A_37 : memref<1x128xi32, #tpu.memory_space<vmem>> -> memref<128xi32, #tpu.memory_space<vmem>>
    %dma_start3A_39 = arith.constant 0 : i32
    %dma_start3A_40 = tpu.memref_slice %dma_start3A_38[%dma_start3A_39] : memref<128xi32, #tpu.memory_space<vmem>> -> memref<50xi32, #tpu.memory_space<vmem>>
    %dma_start3A_41 = arith.constant 0 : i32
    %dma_start3A_42 = arith.constant 0 : i32
    %dma_start3A_43 = tpu.memref_slice %arg3[%dma_start3A_41, %dma_start3A_42] : memref<1000000x64xf32, #tpu.memory_space<hbm>> -> memref<1000000x64xf32, #tpu.memory_space<hbm>>
    tpu.enqueue_indirect_dma source(%dma_start3A_43 : memref<1000000x64xf32, #tpu.memory_space<hbm>>) target(%dma_start3A_35 : memref<50x64xf32, #tpu.memory_space<vmem>>) offsets(%dma_start3A_40 : memref<50xi32, #tpu.memory_space<vmem>>) semaphore(%arg9 : memref<!tpu.dma_semaphore, #tpu.memory_space<semaphore_mem>>)
    %dma_start3A_44 = arith.constant 3 : i32
    %dma_start3A_45 = arith.constant 3 : i32
    %dma_start3A_46 = arith.constant 0 : i32
    %dma_start3A_47 = arith.constant 0 : i32
    %dma_start3A_48 = tpu.memref_slice %arg6[%dma_start3A_45, %dma_start3A_46, %dma_start3A_47] : memref<8x50x64xf32, #tpu.memory_space<vmem>> -> memref<1x50x64xf32, #tpu.memory_space<vmem>>
    %dma_start3A_49 = tpu.memref_squeeze %dma_start3A_48 : memref<1x50x64xf32, #tpu.memory_space<vmem>> -> memref<50x64xf32, #tpu.memory_space<vmem>>
    %dma_start3A_50 = arith.constant 0 : i32
    %dma_start3A_51 = tpu.memref_slice %arg5[%dma_start3A_44, %dma_start3A_50] : memref<512x128xi32, #tpu.memory_space<vmem>> -> memref<1x128xi32, #tpu.memory_space<vmem>>
    %dma_start3A_52 = tpu.memref_squeeze %dma_start3A_51 : memref<1x128xi32, #tpu.memory_space<vmem>> -> memref<128xi32, #tpu.memory_space<vmem>>
    %dma_start3A_53 = arith.constant 0 : i32
    %dma_start3A_54 = tpu.memref_slice %dma_start3A_52[%dma_start3A_53] : memref<128xi32, #tpu.memory_space<vmem>> -> memref<50xi32, #tpu.memory_space<vmem>>
    %dma_start3A_55 = arith.constant 0 : i32
    %dma_start3A_56 = arith.constant 0 : i32
    %dma_start3A_57 = tpu.memref_slice %arg3[%dma_start3A_55, %dma_start3A_56] : memref<1000000x64xf32, #tpu.memory_space<hbm>> -> memref<1000000x64xf32, #tpu.memory_space<hbm>>
    tpu.enqueue_indirect_dma source(%dma_start3A_57 : memref<1000000x64xf32, #tpu.memory_space<hbm>>) target(%dma_start3A_49 : memref<50x64xf32, #tpu.memory_space<vmem>>) offsets(%dma_start3A_54 : memref<50xi32, #tpu.memory_space<vmem>>) semaphore(%arg10 : memref<!tpu.dma_semaphore, #tpu.memory_space<semaphore_mem>>)
    %dma_start3A_58 = arith.constant 4 : i32
    %dma_start3A_59 = arith.constant 4 : i32
    %dma_start3A_60 = arith.constant 0 : i32
    %dma_start3A_61 = arith.constant 0 : i32
    %dma_start3A_62 = tpu.memref_slice %arg6[%dma_start3A_59, %dma_start3A_60, %dma_start3A_61] : memref<8x50x64xf32, #tpu.memory_space<vmem>> -> memref<1x50x64xf32, #tpu.memory_space<vmem>>
    %dma_start3A_63 = tpu.memref_squeeze %dma_start3A_62 : memref<1x50x64xf32, #tpu.memory_space<vmem>> -> memref<50x64xf32, #tpu.memory_space<vmem>>
    %dma_start3A_64 = arith.constant 0 : i32
    %dma_start3A_65 = tpu.memref_slice %arg5[%dma_start3A_58, %dma_start3A_64] : memref<512x128xi32, #tpu.memory_space<vmem>> -> memref<1x128xi32, #tpu.memory_space<vmem>>
    %dma_start3A_66 = tpu.memref_squeeze %dma_start3A_65 : memref<1x128xi32, #tpu.memory_space<vmem>> -> memref<128xi32, #tpu.memory_space<vmem>>
    %dma_start3A_67 = arith.constant 0 : i32
    %dma_start3A_68 = tpu.memref_slice %dma_start3A_66[%dma_start3A_67] : memref<128xi32, #tpu.memory_space<vmem>> -> memref<50xi32, #tpu.memory_space<vmem>>
    %dma_start3A_69 = arith.constant 0 : i32
    %dma_start3A_70 = arith.constant 0 : i32
    %dma_start3A_71 = tpu.memref_slice %arg3[%dma_start3A_69, %dma_start3A_70] : memref<1000000x64xf32, #tpu.memory_space<hbm>> -> memref<1000000x64xf32, #tpu.memory_space<hbm>>
    tpu.enqueue_indirect_dma source(%dma_start3A_71 : memref<1000000x64xf32, #tpu.memory_space<hbm>>) target(%dma_start3A_63 : memref<50x64xf32, #tpu.memory_space<vmem>>) offsets(%dma_start3A_68 : memref<50xi32, #tpu.memory_space<vmem>>) semaphore(%arg11 : memref<!tpu.dma_semaphore, #tpu.memory_space<semaphore_mem>>)
    %dma_start3A_72 = arith.constant 5 : i32
    %dma_start3A_73 = arith.constant 5 : i32
    %dma_start3A_74 = arith.constant 0 : i32
    %dma_start3A_75 = arith.constant 0 : i32
    %dma_start3A_76 = tpu.memref_slice %arg6[%dma_start3A_73, %dma_start3A_74, %dma_start3A_75] : memref<8x50x64xf32, #tpu.memory_space<vmem>> -> memref<1x50x64xf32, #tpu.memory_space<vmem>>
    %dma_start3A_77 = tpu.memref_squeeze %dma_start3A_76 : memref<1x50x64xf32, #tpu.memory_space<vmem>> -> memref<50x64xf32, #tpu.memory_space<vmem>>
    %dma_start3A_78 = arith.constant 0 : i32
    %dma_start3A_79 = tpu.memref_slice %arg5[%dma_start3A_72, %dma_start3A_78] : memref<512x128xi32, #tpu.memory_space<vmem>> -> memref<1x128xi32, #tpu.memory_space<vmem>>
    %dma_start3A_80 = tpu.memref_squeeze %dma_start3A_79 : memref<1x128xi32, #tpu.memory_space<vmem>> -> memref<128xi32, #tpu.memory_space<vmem>>
    %dma_start3A_81 = arith.constant 0 : i32
    %dma_start3A_82 = tpu.memref_slice %dma_start3A_80[%dma_start3A_81] : memref<128xi32, #tpu.memory_space<vmem>> -> memref<50xi32, #tpu.memory_space<vmem>>
    %dma_start3A_83 = arith.constant 0 : i32
    %dma_start3A_84 = arith.constant 0 : i32
    %dma_start3A_85 = tpu.memref_slice %arg3[%dma_start3A_83, %dma_start3A_84] : memref<1000000x64xf32, #tpu.memory_space<hbm>> -> memref<1000000x64xf32, #tpu.memory_space<hbm>>
    tpu.enqueue_indirect_dma source(%dma_start3A_85 : memref<1000000x64xf32, #tpu.memory_space<hbm>>) target(%dma_start3A_77 : memref<50x64xf32, #tpu.memory_space<vmem>>) offsets(%dma_start3A_82 : memref<50xi32, #tpu.memory_space<vmem>>) semaphore(%arg12 : memref<!tpu.dma_semaphore, #tpu.memory_space<semaphore_mem>>)
    %dma_start3A_86 = arith.constant 6 : i32
    %dma_start3A_87 = arith.constant 6 : i32
    %dma_start3A_88 = arith.constant 0 : i32
    %dma_start3A_89 = arith.constant 0 : i32
    %dma_start3A_90 = tpu.memref_slice %arg6[%dma_start3A_87, %dma_start3A_88, %dma_start3A_89] : memref<8x50x64xf32, #tpu.memory_space<vmem>> -> memref<1x50x64xf32, #tpu.memory_space<vmem>>
    %dma_start3A_91 = tpu.memref_squeeze %dma_start3A_90 : memref<1x50x64xf32, #tpu.memory_space<vmem>> -> memref<50x64xf32, #tpu.memory_space<vmem>>
    %dma_start3A_92 = arith.constant 0 : i32
    %dma_start3A_93 = tpu.memref_slice %arg5[%dma_start3A_86, %dma_start3A_92] : memref<512x128xi32, #tpu.memory_space<vmem>> -> memref<1x128xi32, #tpu.memory_space<vmem>>
    %dma_start3A_94 = tpu.memref_squeeze %dma_start3A_93 : memref<1x128xi32, #tpu.memory_space<vmem>> -> memref<128xi32, #tpu.memory_space<vmem>>
    %dma_start3A_95 = arith.constant 0 : i32
    %dma_start3A_96 = tpu.memref_slice %dma_start3A_94[%dma_start3A_95] : memref<128xi32, #tpu.memory_space<vmem>> -> memref<50xi32, #tpu.memory_space<vmem>>
    %dma_start3A_97 = arith.constant 0 : i32
    %dma_start3A_98 = arith.constant 0 : i32
    %dma_start3A_99 = tpu.memref_slice %arg3[%dma_start3A_97, %dma_start3A_98] : memref<1000000x64xf32, #tpu.memory_space<hbm>> -> memref<1000000x64xf32, #tpu.memory_space<hbm>>
    tpu.enqueue_indirect_dma source(%dma_start3A_99 : memref<1000000x64xf32, #tpu.memory_space<hbm>>) target(%dma_start3A_91 : memref<50x64xf32, #tpu.memory_space<vmem>>) offsets(%dma_start3A_96 : memref<50xi32, #tpu.memory_space<vmem>>) semaphore(%arg13 : memref<!tpu.dma_semaphore, #tpu.memory_space<semaphore_mem>>)
    %dma_start3A_100 = arith.constant 7 : i32
    %dma_start3A_101 = arith.constant 7 : i32
    %dma_start3A_102 = arith.constant 0 : i32
    %dma_start3A_103 = arith.constant 0 : i32
    %dma_start3A_104 = tpu.memref_slice %arg6[%dma_start3A_101, %dma_start3A_102, %dma_start3A_103] : memref<8x50x64xf32, #tpu.memory_space<vmem>> -> memref<1x50x64xf32, #tpu.memory_space<vmem>>
    %dma_start3A_105 = tpu.memref_squeeze %dma_start3A_104 : memref<1x50x64xf32, #tpu.memory_space<vmem>> -> memref<50x64xf32, #tpu.memory_space<vmem>>
    %dma_start3A_106 = arith.constant 0 : i32
    %dma_start3A_107 = tpu.memref_slice %arg5[%dma_start3A_100, %dma_start3A_106] : memref<512x128xi32, #tpu.memory_space<vmem>> -> memref<1x128xi32, #tpu.memory_space<vmem>>
    %dma_start3A_108 = tpu.memref_squeeze %dma_start3A_107 : memref<1x128xi32, #tpu.memory_space<vmem>> -> memref<128xi32, #tpu.memory_space<vmem>>
    %dma_start3A_109 = arith.constant 0 : i32
    %dma_start3A_110 = tpu.memref_slice %dma_start3A_108[%dma_start3A_109] : memref<128xi32, #tpu.memory_space<vmem>> -> memref<50xi32, #tpu.memory_space<vmem>>
    %dma_start3A_111 = arith.constant 0 : i32
    %dma_start3A_112 = arith.constant 0 : i32
    %dma_start3A_113 = tpu.memref_slice %arg3[%dma_start3A_111, %dma_start3A_112] : memref<1000000x64xf32, #tpu.memory_space<hbm>> -> memref<1000000x64xf32, #tpu.memory_space<hbm>>
    tpu.enqueue_indirect_dma source(%dma_start3A_113 : memref<1000000x64xf32, #tpu.memory_space<hbm>>) target(%dma_start3A_105 : memref<50x64xf32, #tpu.memory_space<vmem>>) offsets(%dma_start3A_110 : memref<50xi32, #tpu.memory_space<vmem>>) semaphore(%arg14 : memref<!tpu.dma_semaphore, #tpu.memory_space<semaphore_mem>>)
    %scan3A = arith.constant 0 : i32
    %scan3A_114 = arith.constant 0 : i32
    %scan3A_115 = arith.constant 64 : i32
    %scan3A_116 = arith.addi %scan3A_114, %scan3A_115 : i32
    %scan3A_117 = arith.constant 1 : i32
    scf.for %scan3A_119 = %scan3A_114 to %scan3A_116 step %scan3A_117  : i32 {
      %mul3A_120 = arith.constant 8 : i32
      %mul3A_121 = arith.muli %scan3A_119, %mul3A_120 : i32
      %add3A_122 = arith.constant 0 : i32
      %add3A_123 = arith.addi %mul3A_121, %add3A_122 : i32
      %dma_wait3A = arith.constant 0 : i32
      %dma_wait3A_124 = arith.constant 0 : i32
      %dma_wait3A_125 = arith.constant 0 : i32
      %dma_wait3A_126 = arith.constant 0 : i32
      %dma_wait3A_127 = tpu.memref_slice %arg6[%dma_wait3A_124, %dma_wait3A_125, %dma_wait3A_126] : memref<8x50x64xf32, #tpu.memory_space<vmem>> -> memref<1x50x64xf32, #tpu.memory_space<vmem>>
      %dma_wait3A_128 = tpu.memref_squeeze %dma_wait3A_127 : memref<1x50x64xf32, #tpu.memory_space<vmem>> -> memref<50x64xf32, #tpu.memory_space<vmem>>
      %dma_wait3A_129 = arith.constant 0 : i32
      %dma_wait3A_130 = tpu.memref_slice %arg5[%dma_wait3A, %dma_wait3A_129] : memref<512x128xi32, #tpu.memory_space<vmem>> -> memref<1x128xi32, #tpu.memory_space<vmem>>
      %dma_wait3A_131 = tpu.memref_squeeze %dma_wait3A_130 : memref<1x128xi32, #tpu.memory_space<vmem>> -> memref<128xi32, #tpu.memory_space<vmem>>
      %dma_wait3A_132 = arith.constant 0 : i32
      %dma_wait3A_133 = tpu.memref_slice %dma_wait3A_131[%dma_wait3A_132] : memref<128xi32, #tpu.memory_space<vmem>> -> memref<50xi32, #tpu.memory_space<vmem>>
      %dma_wait3A_134 = arith.constant 0 : i32
      %dma_wait3A_135 = arith.constant 0 : i32
      %dma_wait3A_136 = tpu.memref_slice %arg3[%dma_wait3A_134, %dma_wait3A_135] : memref<1000000x64xf32, #tpu.memory_space<hbm>> -> memref<1000000x64xf32, #tpu.memory_space<hbm>>
      tpu.wait_indirect_dma semaphore(%arg7 : memref<!tpu.dma_semaphore, #tpu.memory_space<semaphore_mem>>) src(%dma_wait3A_136 : memref<1000000x64xf32, #tpu.memory_space<hbm>>) dst(%dma_wait3A_128 : memref<50x64xf32, #tpu.memory_space<vmem>>)
      %add3A_137 = arith.addi %mul3A_2, %add3A_123 : i32
      %run_scoped3A = arith.constant 0 : i32
      "tpu.region"() ({
        %run_scoped3A_331 = tpu.sem_alloc : memref<!tpu.dma_semaphore, #tpu.memory_space<semaphore_mem>>
        %dma_start3A_332 = arith.constant 0 : i32
        %dma_start3A_333 = arith.constant 0 : i32
        %dma_start3A_334 = tpu.memref_slice %arg6[%run_scoped3A, %dma_start3A_332, %dma_start3A_333] : memref<8x50x64xf32, #tpu.memory_space<vmem>> -> memref<1x50x64xf32, #tpu.memory_space<vmem>>
        %dma_start3A_335 = tpu.memref_squeeze %dma_start3A_334 : memref<1x50x64xf32, #tpu.memory_space<vmem>> -> memref<50x64xf32, #tpu.memory_space<vmem>>
        %dma_start3A_336 = arith.constant 0 : i32
        %dma_start3A_337 = arith.constant 0 : i32
        %dma_start3A_338 = tpu.memref_slice %arg4[%add3A_137, %dma_start3A_336, %dma_start3A_337] : memref<16384x50x64xf32, #tpu.memory_space<hbm>> -> memref<1x50x64xf32, #tpu.memory_space<hbm>>
        %dma_start3A_339 = tpu.memref_squeeze %dma_start3A_338 : memref<1x50x64xf32, #tpu.memory_space<hbm>> -> memref<50x64xf32, #tpu.memory_space<hbm>>
        %dma_start3A_340 = arith.constant 0 : i32
        %dma_start3A_341 = arith.constant 0 : i32
        %dma_start3A_342 = tpu.memref_slice %arg4[%add3A_137, %dma_start3A_340, %dma_start3A_341] : memref<16384x50x64xf32, #tpu.memory_space<hbm>> -> memref<1x50x64xf32, #tpu.memory_space<hbm>>
        %dma_start3A_343 = tpu.memref_squeeze %dma_start3A_342 : memref<1x50x64xf32, #tpu.memory_space<hbm>> -> memref<50x64xf32, #tpu.memory_space<hbm>>
        %dma_start3A_344 = arith.constant 0 : i32
        %dma_start3A_345 = arith.constant 0 : i32
        %dma_start3A_346 = tpu.memref_slice %arg6[%run_scoped3A, %dma_start3A_344, %dma_start3A_345] : memref<8x50x64xf32, #tpu.memory_space<vmem>> -> memref<1x50x64xf32, #tpu.memory_space<vmem>>
        %dma_start3A_347 = tpu.memref_squeeze %dma_start3A_346 : memref<1x50x64xf32, #tpu.memory_space<vmem>> -> memref<50x64xf32, #tpu.memory_space<vmem>>
        tpu.enqueue_dma source(%dma_start3A_347 : memref<50x64xf32, #tpu.memory_space<vmem>>) target(%dma_start3A_343 : memref<50x64xf32, #tpu.memory_space<hbm>>) target_semaphore(%run_scoped3A_331 : memref<!tpu.dma_semaphore, #tpu.memory_space<semaphore_mem>>)
        %dma_wait3A_348 = arith.constant 0 : i32
        %dma_wait3A_349 = arith.constant 0 : i32
        %dma_wait3A_350 = tpu.memref_slice %arg6[%run_scoped3A, %dma_wait3A_348, %dma_wait3A_349] : memref<8x50x64xf32, #tpu.memory_space<vmem>> -> memref<1x50x64xf32, #tpu.memory_space<vmem>>
        %dma_wait3A_351 = tpu.memref_squeeze %dma_wait3A_350 : memref<1x50x64xf32, #tpu.memory_space<vmem>> -> memref<50x64xf32, #tpu.memory_space<vmem>>
        %dma_wait3A_352 = arith.constant 0 : i32
        %dma_wait3A_353 = arith.constant 0 : i32
        %dma_wait3A_354 = tpu.memref_slice %arg4[%add3A_137, %dma_wait3A_352, %dma_wait3A_353] : memref<16384x50x64xf32, #tpu.memory_space<hbm>> -> memref<1x50x64xf32, #tpu.memory_space<hbm>>
        %dma_wait3A_355 = tpu.memref_squeeze %dma_wait3A_354 : memref<1x50x64xf32, #tpu.memory_space<hbm>> -> memref<50x64xf32, #tpu.memory_space<hbm>>
        %dma_wait3A_356 = arith.constant 0 : i32
        %dma_wait3A_357 = arith.constant 0 : i32
        %dma_wait3A_358 = tpu.memref_slice %arg4[%add3A_137, %dma_wait3A_356, %dma_wait3A_357] : memref<16384x50x64xf32, #tpu.memory_space<hbm>> -> memref<1x50x64xf32, #tpu.memory_space<hbm>>
        %dma_wait3A_359 = tpu.memref_squeeze %dma_wait3A_358 : memref<1x50x64xf32, #tpu.memory_space<hbm>> -> memref<50x64xf32, #tpu.memory_space<hbm>>
        %dma_wait3A_360 = arith.constant 0 : i32
        %dma_wait3A_361 = arith.constant 0 : i32
        %dma_wait3A_362 = tpu.memref_slice %arg6[%run_scoped3A, %dma_wait3A_360, %dma_wait3A_361] : memref<8x50x64xf32, #tpu.memory_space<vmem>> -> memref<1x50x64xf32, #tpu.memory_space<vmem>>
        %dma_wait3A_363 = tpu.memref_squeeze %dma_wait3A_362 : memref<1x50x64xf32, #tpu.memory_space<vmem>> -> memref<50x64xf32, #tpu.memory_space<vmem>>
        tpu.wait_dma2 semaphore(%run_scoped3A_331 : memref<!tpu.dma_semaphore, #tpu.memory_space<semaphore_mem>>) src(%dma_wait3A_363 : memref<50x64xf32, #tpu.memory_space<vmem>>) dst(%dma_wait3A_359 : memref<50x64xf32, #tpu.memory_space<hbm>>)
        tpu.yield
      }) : () -> ()
      %add3A_138 = arith.constant 8 : i32
      %add3A_139 = arith.addi %add3A_123, %add3A_138 : i32
      %lt3A = arith.constant 512 : i32
      %lt3A_140 = arith.cmpi slt, %add3A_139, %lt3A : i32
      %convert_element_type3A = arith.extui %lt3A_140 : i1 to i32
      %cond3A = arith.constant 0 : i32
      %cond3A_141 = arith.cmpi ne, %convert_element_type3A, %cond3A : i32
      scf.if %cond3A_141 {
        %dma_start3A_331 = arith.constant 0 : i32
        %dma_start3A_332 = arith.constant 0 : i32
        %dma_start3A_333 = arith.constant 0 : i32
        %dma_start3A_334 = tpu.memref_slice %arg6[%dma_start3A_331, %dma_start3A_332, %dma_start3A_333] : memref<8x50x64xf32, #tpu.memory_space<vmem>> -> memref<1x50x64xf32, #tpu.memory_space<vmem>>
        %dma_start3A_335 = tpu.memref_squeeze %dma_start3A_334 : memref<1x50x64xf32, #tpu.memory_space<vmem>> -> memref<50x64xf32, #tpu.memory_space<vmem>>
        %dma_start3A_336 = arith.constant 0 : i32
        %dma_start3A_337 = tpu.memref_slice %arg5[%add3A_139, %dma_start3A_336] : memref<512x128xi32, #tpu.memory_space<vmem>> -> memref<1x128xi32, #tpu.memory_space<vmem>>
        %dma_start3A_338 = tpu.memref_squeeze %dma_start3A_337 : memref<1x128xi32, #tpu.memory_space<vmem>> -> memref<128xi32, #tpu.memory_space<vmem>>
        %dma_start3A_339 = arith.constant 0 : i32
        %dma_start3A_340 = tpu.memref_slice %dma_start3A_338[%dma_start3A_339] : memref<128xi32, #tpu.memory_space<vmem>> -> memref<50xi32, #tpu.memory_space<vmem>>
        %dma_start3A_341 = arith.constant 0 : i32
        %dma_start3A_342 = arith.constant 0 : i32
        %dma_start3A_343 = tpu.memref_slice %arg3[%dma_start3A_341, %dma_start3A_342] : memref<1000000x64xf32, #tpu.memory_space<hbm>> -> memref<1000000x64xf32, #tpu.memory_space<hbm>>
        tpu.enqueue_indirect_dma source(%dma_start3A_343 : memref<1000000x64xf32, #tpu.memory_space<hbm>>) target(%dma_start3A_335 : memref<50x64xf32, #tpu.memory_space<vmem>>) offsets(%dma_start3A_340 : memref<50xi32, #tpu.memory_space<vmem>>) semaphore(%arg7 : memref<!tpu.dma_semaphore, #tpu.memory_space<semaphore_mem>>)
      } else {
      }
      %mul3A_142 = arith.constant 8 : i32
      %mul3A_143 = arith.muli %scan3A_119, %mul3A_142 : i32
      %add3A_144 = arith.constant 1 : i32
      %add3A_145 = arith.addi %mul3A_143, %add3A_144 : i32
      %dma_wait3A_146 = arith.constant 0 : i32
      %dma_wait3A_147 = arith.constant 1 : i32
      %dma_wait3A_148 = arith.constant 0 : i32
      %dma_wait3A_149 = arith.constant 0 : i32
      %dma_wait3A_150 = tpu.memref_slice %arg6[%dma_wait3A_147, %dma_wait3A_148, %dma_wait3A_149] : memref<8x50x64xf32, #tpu.memory_space<vmem>> -> memref<1x50x64xf32, #tpu.memory_space<vmem>>
      %dma_wait3A_151 = tpu.memref_squeeze %dma_wait3A_150 : memref<1x50x64xf32, #tpu.memory_space<vmem>> -> memref<50x64xf32, #tpu.memory_space<vmem>>
      %dma_wait3A_152 = arith.constant 0 : i32
      %dma_wait3A_153 = tpu.memref_slice %arg5[%dma_wait3A_146, %dma_wait3A_152] : memref<512x128xi32, #tpu.memory_space<vmem>> -> memref<1x128xi32, #tpu.memory_space<vmem>>
      %dma_wait3A_154 = tpu.memref_squeeze %dma_wait3A_153 : memref<1x128xi32, #tpu.memory_space<vmem>> -> memref<128xi32, #tpu.memory_space<vmem>>
      %dma_wait3A_155 = arith.constant 0 : i32
      %dma_wait3A_156 = tpu.memref_slice %dma_wait3A_154[%dma_wait3A_155] : memref<128xi32, #tpu.memory_space<vmem>> -> memref<50xi32, #tpu.memory_space<vmem>>
      %dma_wait3A_157 = arith.constant 0 : i32
      %dma_wait3A_158 = arith.constant 0 : i32
      %dma_wait3A_159 = tpu.memref_slice %arg3[%dma_wait3A_157, %dma_wait3A_158] : memref<1000000x64xf32, #tpu.memory_space<hbm>> -> memref<1000000x64xf32, #tpu.memory_space<hbm>>
      tpu.wait_indirect_dma semaphore(%arg8 : memref<!tpu.dma_semaphore, #tpu.memory_space<semaphore_mem>>) src(%dma_wait3A_159 : memref<1000000x64xf32, #tpu.memory_space<hbm>>) dst(%dma_wait3A_151 : memref<50x64xf32, #tpu.memory_space<vmem>>)
      %add3A_160 = arith.addi %mul3A_2, %add3A_145 : i32
      %run_scoped3A_161 = arith.constant 1 : i32
      "tpu.region"() ({
        %run_scoped3A_331 = tpu.sem_alloc : memref<!tpu.dma_semaphore, #tpu.memory_space<semaphore_mem>>
        %dma_start3A_332 = arith.constant 0 : i32
        %dma_start3A_333 = arith.constant 0 : i32
        %dma_start3A_334 = tpu.memref_slice %arg6[%run_scoped3A_161, %dma_start3A_332, %dma_start3A_333] : memref<8x50x64xf32, #tpu.memory_space<vmem>> -> memref<1x50x64xf32, #tpu.memory_space<vmem>>
        %dma_start3A_335 = tpu.memref_squeeze %dma_start3A_334 : memref<1x50x64xf32, #tpu.memory_space<vmem>> -> memref<50x64xf32, #tpu.memory_space<vmem>>
        %dma_start3A_336 = arith.constant 0 : i32
        %dma_start3A_337 = arith.constant 0 : i32
        %dma_start3A_338 = tpu.memref_slice %arg4[%add3A_160, %dma_start3A_336, %dma_start3A_337] : memref<16384x50x64xf32, #tpu.memory_space<hbm>> -> memref<1x50x64xf32, #tpu.memory_space<hbm>>
        %dma_start3A_339 = tpu.memref_squeeze %dma_start3A_338 : memref<1x50x64xf32, #tpu.memory_space<hbm>> -> memref<50x64xf32, #tpu.memory_space<hbm>>
        %dma_start3A_340 = arith.constant 0 : i32
        %dma_start3A_341 = arith.constant 0 : i32
        %dma_start3A_342 = tpu.memref_slice %arg4[%add3A_160, %dma_start3A_340, %dma_start3A_341] : memref<16384x50x64xf32, #tpu.memory_space<hbm>> -> memref<1x50x64xf32, #tpu.memory_space<hbm>>
        %dma_start3A_343 = tpu.memref_squeeze %dma_start3A_342 : memref<1x50x64xf32, #tpu.memory_space<hbm>> -> memref<50x64xf32, #tpu.memory_space<hbm>>
        %dma_start3A_344 = arith.constant 0 : i32
        %dma_start3A_345 = arith.constant 0 : i32
        %dma_start3A_346 = tpu.memref_slice %arg6[%run_scoped3A_161, %dma_start3A_344, %dma_start3A_345] : memref<8x50x64xf32, #tpu.memory_space<vmem>> -> memref<1x50x64xf32, #tpu.memory_space<vmem>>
        %dma_start3A_347 = tpu.memref_squeeze %dma_start3A_346 : memref<1x50x64xf32, #tpu.memory_space<vmem>> -> memref<50x64xf32, #tpu.memory_space<vmem>>
        tpu.enqueue_dma source(%dma_start3A_347 : memref<50x64xf32, #tpu.memory_space<vmem>>) target(%dma_start3A_343 : memref<50x64xf32, #tpu.memory_space<hbm>>) target_semaphore(%run_scoped3A_331 : memref<!tpu.dma_semaphore, #tpu.memory_space<semaphore_mem>>)
        %dma_wait3A_348 = arith.constant 0 : i32
        %dma_wait3A_349 = arith.constant 0 : i32
        %dma_wait3A_350 = tpu.memref_slice %arg6[%run_scoped3A_161, %dma_wait3A_348, %dma_wait3A_349] : memref<8x50x64xf32, #tpu.memory_space<vmem>> -> memref<1x50x64xf32, #tpu.memory_space<vmem>>
        %dma_wait3A_351 = tpu.memref_squeeze %dma_wait3A_350 : memref<1x50x64xf32, #tpu.memory_space<vmem>> -> memref<50x64xf32, #tpu.memory_space<vmem>>
        %dma_wait3A_352 = arith.constant 0 : i32
        %dma_wait3A_353 = arith.constant 0 : i32
        %dma_wait3A_354 = tpu.memref_slice %arg4[%add3A_160, %dma_wait3A_352, %dma_wait3A_353] : memref<16384x50x64xf32, #tpu.memory_space<hbm>> -> memref<1x50x64xf32, #tpu.memory_space<hbm>>
        %dma_wait3A_355 = tpu.memref_squeeze %dma_wait3A_354 : memref<1x50x64xf32, #tpu.memory_space<hbm>> -> memref<50x64xf32, #tpu.memory_space<hbm>>
        %dma_wait3A_356 = arith.constant 0 : i32
        %dma_wait3A_357 = arith.constant 0 : i32
        %dma_wait3A_358 = tpu.memref_slice %arg4[%add3A_160, %dma_wait3A_356, %dma_wait3A_357] : memref<16384x50x64xf32, #tpu.memory_space<hbm>> -> memref<1x50x64xf32, #tpu.memory_space<hbm>>
        %dma_wait3A_359 = tpu.memref_squeeze %dma_wait3A_358 : memref<1x50x64xf32, #tpu.memory_space<hbm>> -> memref<50x64xf32, #tpu.memory_space<hbm>>
        %dma_wait3A_360 = arith.constant 0 : i32
        %dma_wait3A_361 = arith.constant 0 : i32
        %dma_wait3A_362 = tpu.memref_slice %arg6[%run_scoped3A_161, %dma_wait3A_360, %dma_wait3A_361] : memref<8x50x64xf32, #tpu.memory_space<vmem>> -> memref<1x50x64xf32, #tpu.memory_space<vmem>>
        %dma_wait3A_363 = tpu.memref_squeeze %dma_wait3A_362 : memref<1x50x64xf32, #tpu.memory_space<vmem>> -> memref<50x64xf32, #tpu.memory_space<vmem>>
        tpu.wait_dma2 semaphore(%run_scoped3A_331 : memref<!tpu.dma_semaphore, #tpu.memory_space<semaphore_mem>>) src(%dma_wait3A_363 : memref<50x64xf32, #tpu.memory_space<vmem>>) dst(%dma_wait3A_359 : memref<50x64xf32, #tpu.memory_space<hbm>>)
        tpu.yield
      }) : () -> ()
      %add3A_162 = arith.constant 8 : i32
      %add3A_163 = arith.addi %add3A_145, %add3A_162 : i32
      %lt3A_164 = arith.constant 512 : i32
      %lt3A_165 = arith.cmpi slt, %add3A_163, %lt3A_164 : i32
      %convert_element_type3A_166 = arith.extui %lt3A_165 : i1 to i32
      %cond3A_167 = arith.constant 0 : i32
      %cond3A_168 = arith.cmpi ne, %convert_element_type3A_166, %cond3A_167 : i32
      scf.if %cond3A_168 {
        %dma_start3A_331 = arith.constant 1 : i32
        %dma_start3A_332 = arith.constant 0 : i32
        %dma_start3A_333 = arith.constant 0 : i32
        %dma_start3A_334 = tpu.memref_slice %arg6[%dma_start3A_331, %dma_start3A_332, %dma_start3A_333] : memref<8x50x64xf32, #tpu.memory_space<vmem>> -> memref<1x50x64xf32, #tpu.memory_space<vmem>>
        %dma_start3A_335 = tpu.memref_squeeze %dma_start3A_334 : memref<1x50x64xf32, #tpu.memory_space<vmem>> -> memref<50x64xf32, #tpu.memory_space<vmem>>
        %dma_start3A_336 = arith.constant 0 : i32
        %dma_start3A_337 = tpu.memref_slice %arg5[%add3A_163, %dma_start3A_336] : memref<512x128xi32, #tpu.memory_space<vmem>> -> memref<1x128xi32, #tpu.memory_space<vmem>>
        %dma_start3A_338 = tpu.memref_squeeze %dma_start3A_337 : memref<1x128xi32, #tpu.memory_space<vmem>> -> memref<128xi32, #tpu.memory_space<vmem>>
        %dma_start3A_339 = arith.constant 0 : i32
        %dma_start3A_340 = tpu.memref_slice %dma_start3A_338[%dma_start3A_339] : memref<128xi32, #tpu.memory_space<vmem>> -> memref<50xi32, #tpu.memory_space<vmem>>
        %dma_start3A_341 = arith.constant 0 : i32
        %dma_start3A_342 = arith.constant 0 : i32
        %dma_start3A_343 = tpu.memref_slice %arg3[%dma_start3A_341, %dma_start3A_342] : memref<1000000x64xf32, #tpu.memory_space<hbm>> -> memref<1000000x64xf32, #tpu.memory_space<hbm>>
        tpu.enqueue_indirect_dma source(%dma_start3A_343 : memref<1000000x64xf32, #tpu.memory_space<hbm>>) target(%dma_start3A_335 : memref<50x64xf32, #tpu.memory_space<vmem>>) offsets(%dma_start3A_340 : memref<50xi32, #tpu.memory_space<vmem>>) semaphore(%arg8 : memref<!tpu.dma_semaphore, #tpu.memory_space<semaphore_mem>>)
      } else {
      }
      %mul3A_169 = arith.constant 8 : i32
      %mul3A_170 = arith.muli %scan3A_119, %mul3A_169 : i32
      %add3A_171 = arith.constant 2 : i32
      %add3A_172 = arith.addi %mul3A_170, %add3A_171 : i32
      %dma_wait3A_173 = arith.constant 0 : i32
      %dma_wait3A_174 = arith.constant 2 : i32
      %dma_wait3A_175 = arith.constant 0 : i32
      %dma_wait3A_176 = arith.constant 0 : i32
      %dma_wait3A_177 = tpu.memref_slice %arg6[%dma_wait3A_174, %dma_wait3A_175, %dma_wait3A_176] : memref<8x50x64xf32, #tpu.memory_space<vmem>> -> memref<1x50x64xf32, #tpu.memory_space<vmem>>
      %dma_wait3A_178 = tpu.memref_squeeze %dma_wait3A_177 : memref<1x50x64xf32, #tpu.memory_space<vmem>> -> memref<50x64xf32, #tpu.memory_space<vmem>>
      %dma_wait3A_179 = arith.constant 0 : i32
      %dma_wait3A_180 = tpu.memref_slice %arg5[%dma_wait3A_173, %dma_wait3A_179] : memref<512x128xi32, #tpu.memory_space<vmem>> -> memref<1x128xi32, #tpu.memory_space<vmem>>
      %dma_wait3A_181 = tpu.memref_squeeze %dma_wait3A_180 : memref<1x128xi32, #tpu.memory_space<vmem>> -> memref<128xi32, #tpu.memory_space<vmem>>
      %dma_wait3A_182 = arith.constant 0 : i32
      %dma_wait3A_183 = tpu.memref_slice %dma_wait3A_181[%dma_wait3A_182] : memref<128xi32, #tpu.memory_space<vmem>> -> memref<50xi32, #tpu.memory_space<vmem>>
      %dma_wait3A_184 = arith.constant 0 : i32
      %dma_wait3A_185 = arith.constant 0 : i32
      %dma_wait3A_186 = tpu.memref_slice %arg3[%dma_wait3A_184, %dma_wait3A_185] : memref<1000000x64xf32, #tpu.memory_space<hbm>> -> memref<1000000x64xf32, #tpu.memory_space<hbm>>
      tpu.wait_indirect_dma semaphore(%arg9 : memref<!tpu.dma_semaphore, #tpu.memory_space<semaphore_mem>>) src(%dma_wait3A_186 : memref<1000000x64xf32, #tpu.memory_space<hbm>>) dst(%dma_wait3A_178 : memref<50x64xf32, #tpu.memory_space<vmem>>)
      %add3A_187 = arith.addi %mul3A_2, %add3A_172 : i32
      %run_scoped3A_188 = arith.constant 2 : i32
      "tpu.region"() ({
        %run_scoped3A_331 = tpu.sem_alloc : memref<!tpu.dma_semaphore, #tpu.memory_space<semaphore_mem>>
        %dma_start3A_332 = arith.constant 0 : i32
        %dma_start3A_333 = arith.constant 0 : i32
        %dma_start3A_334 = tpu.memref_slice %arg6[%run_scoped3A_188, %dma_start3A_332, %dma_start3A_333] : memref<8x50x64xf32, #tpu.memory_space<vmem>> -> memref<1x50x64xf32, #tpu.memory_space<vmem>>
        %dma_start3A_335 = tpu.memref_squeeze %dma_start3A_334 : memref<1x50x64xf32, #tpu.memory_space<vmem>> -> memref<50x64xf32, #tpu.memory_space<vmem>>
        %dma_start3A_336 = arith.constant 0 : i32
        %dma_start3A_337 = arith.constant 0 : i32
        %dma_start3A_338 = tpu.memref_slice %arg4[%add3A_187, %dma_start3A_336, %dma_start3A_337] : memref<16384x50x64xf32, #tpu.memory_space<hbm>> -> memref<1x50x64xf32, #tpu.memory_space<hbm>>
        %dma_start3A_339 = tpu.memref_squeeze %dma_start3A_338 : memref<1x50x64xf32, #tpu.memory_space<hbm>> -> memref<50x64xf32, #tpu.memory_space<hbm>>
        %dma_start3A_340 = arith.constant 0 : i32
        %dma_start3A_341 = arith.constant 0 : i32
        %dma_start3A_342 = tpu.memref_slice %arg4[%add3A_187, %dma_start3A_340, %dma_start3A_341] : memref<16384x50x64xf32, #tpu.memory_space<hbm>> -> memref<1x50x64xf32, #tpu.memory_space<hbm>>
        %dma_start3A_343 = tpu.memref_squeeze %dma_start3A_342 : memref<1x50x64xf32, #tpu.memory_space<hbm>> -> memref<50x64xf32, #tpu.memory_space<hbm>>
        %dma_start3A_344 = arith.constant 0 : i32
        %dma_start3A_345 = arith.constant 0 : i32
        %dma_start3A_346 = tpu.memref_slice %arg6[%run_scoped3A_188, %dma_start3A_344, %dma_start3A_345] : memref<8x50x64xf32, #tpu.memory_space<vmem>> -> memref<1x50x64xf32, #tpu.memory_space<vmem>>
        %dma_start3A_347 = tpu.memref_squeeze %dma_start3A_346 : memref<1x50x64xf32, #tpu.memory_space<vmem>> -> memref<50x64xf32, #tpu.memory_space<vmem>>
        tpu.enqueue_dma source(%dma_start3A_347 : memref<50x64xf32, #tpu.memory_space<vmem>>) target(%dma_start3A_343 : memref<50x64xf32, #tpu.memory_space<hbm>>) target_semaphore(%run_scoped3A_331 : memref<!tpu.dma_semaphore, #tpu.memory_space<semaphore_mem>>)
        %dma_wait3A_348 = arith.constant 0 : i32
        %dma_wait3A_349 = arith.constant 0 : i32
        %dma_wait3A_350 = tpu.memref_slice %arg6[%run_scoped3A_188, %dma_wait3A_348, %dma_wait3A_349] : memref<8x50x64xf32, #tpu.memory_space<vmem>> -> memref<1x50x64xf32, #tpu.memory_space<vmem>>
        %dma_wait3A_351 = tpu.memref_squeeze %dma_wait3A_350 : memref<1x50x64xf32, #tpu.memory_space<vmem>> -> memref<50x64xf32, #tpu.memory_space<vmem>>
        %dma_wait3A_352 = arith.constant 0 : i32
        %dma_wait3A_353 = arith.constant 0 : i32
        %dma_wait3A_354 = tpu.memref_slice %arg4[%add3A_187, %dma_wait3A_352, %dma_wait3A_353] : memref<16384x50x64xf32, #tpu.memory_space<hbm>> -> memref<1x50x64xf32, #tpu.memory_space<hbm>>
        %dma_wait3A_355 = tpu.memref_squeeze %dma_wait3A_354 : memref<1x50x64xf32, #tpu.memory_space<hbm>> -> memref<50x64xf32, #tpu.memory_space<hbm>>
        %dma_wait3A_356 = arith.constant 0 : i32
        %dma_wait3A_357 = arith.constant 0 : i32
        %dma_wait3A_358 = tpu.memref_slice %arg4[%add3A_187, %dma_wait3A_356, %dma_wait3A_357] : memref<16384x50x64xf32, #tpu.memory_space<hbm>> -> memref<1x50x64xf32, #tpu.memory_space<hbm>>
        %dma_wait3A_359 = tpu.memref_squeeze %dma_wait3A_358 : memref<1x50x64xf32, #tpu.memory_space<hbm>> -> memref<50x64xf32, #tpu.memory_space<hbm>>
        %dma_wait3A_360 = arith.constant 0 : i32
        %dma_wait3A_361 = arith.constant 0 : i32
        %dma_wait3A_362 = tpu.memref_slice %arg6[%run_scoped3A_188, %dma_wait3A_360, %dma_wait3A_361] : memref<8x50x64xf32, #tpu.memory_space<vmem>> -> memref<1x50x64xf32, #tpu.memory_space<vmem>>
        %dma_wait3A_363 = tpu.memref_squeeze %dma_wait3A_362 : memref<1x50x64xf32, #tpu.memory_space<vmem>> -> memref<50x64xf32, #tpu.memory_space<vmem>>
        tpu.wait_dma2 semaphore(%run_scoped3A_331 : memref<!tpu.dma_semaphore, #tpu.memory_space<semaphore_mem>>) src(%dma_wait3A_363 : memref<50x64xf32, #tpu.memory_space<vmem>>) dst(%dma_wait3A_359 : memref<50x64xf32, #tpu.memory_space<hbm>>)
        tpu.yield
      }) : () -> ()
      %add3A_189 = arith.constant 8 : i32
      %add3A_190 = arith.addi %add3A_172, %add3A_189 : i32
      %lt3A_191 = arith.constant 512 : i32
      %lt3A_192 = arith.cmpi slt, %add3A_190, %lt3A_191 : i32
      %convert_element_type3A_193 = arith.extui %lt3A_192 : i1 to i32
      %cond3A_194 = arith.constant 0 : i32
      %cond3A_195 = arith.cmpi ne, %convert_element_type3A_193, %cond3A_194 : i32
      scf.if %cond3A_195 {
        %dma_start3A_331 = arith.constant 2 : i32
        %dma_start3A_332 = arith.constant 0 : i32
        %dma_start3A_333 = arith.constant 0 : i32
        %dma_start3A_334 = tpu.memref_slice %arg6[%dma_start3A_331, %dma_start3A_332, %dma_start3A_333] : memref<8x50x64xf32, #tpu.memory_space<vmem>> -> memref<1x50x64xf32, #tpu.memory_space<vmem>>
        %dma_start3A_335 = tpu.memref_squeeze %dma_start3A_334 : memref<1x50x64xf32, #tpu.memory_space<vmem>> -> memref<50x64xf32, #tpu.memory_space<vmem>>
        %dma_start3A_336 = arith.constant 0 : i32
        %dma_start3A_337 = tpu.memref_slice %arg5[%add3A_190, %dma_start3A_336] : memref<512x128xi32, #tpu.memory_space<vmem>> -> memref<1x128xi32, #tpu.memory_space<vmem>>
        %dma_start3A_338 = tpu.memref_squeeze %dma_start3A_337 : memref<1x128xi32, #tpu.memory_space<vmem>> -> memref<128xi32, #tpu.memory_space<vmem>>
        %dma_start3A_339 = arith.constant 0 : i32
        %dma_start3A_340 = tpu.memref_slice %dma_start3A_338[%dma_start3A_339] : memref<128xi32, #tpu.memory_space<vmem>> -> memref<50xi32, #tpu.memory_space<vmem>>
        %dma_start3A_341 = arith.constant 0 : i32
        %dma_start3A_342 = arith.constant 0 : i32
        %dma_start3A_343 = tpu.memref_slice %arg3[%dma_start3A_341, %dma_start3A_342] : memref<1000000x64xf32, #tpu.memory_space<hbm>> -> memref<1000000x64xf32, #tpu.memory_space<hbm>>
        tpu.enqueue_indirect_dma source(%dma_start3A_343 : memref<1000000x64xf32, #tpu.memory_space<hbm>>) target(%dma_start3A_335 : memref<50x64xf32, #tpu.memory_space<vmem>>) offsets(%dma_start3A_340 : memref<50xi32, #tpu.memory_space<vmem>>) semaphore(%arg9 : memref<!tpu.dma_semaphore, #tpu.memory_space<semaphore_mem>>)
      } else {
      }
      %mul3A_196 = arith.constant 8 : i32
      %mul3A_197 = arith.muli %scan3A_119, %mul3A_196 : i32
      %add3A_198 = arith.constant 3 : i32
      %add3A_199 = arith.addi %mul3A_197, %add3A_198 : i32
      %dma_wait3A_200 = arith.constant 0 : i32
      %dma_wait3A_201 = arith.constant 3 : i32
      %dma_wait3A_202 = arith.constant 0 : i32
      %dma_wait3A_203 = arith.constant 0 : i32
      %dma_wait3A_204 = tpu.memref_slice %arg6[%dma_wait3A_201, %dma_wait3A_202, %dma_wait3A_203] : memref<8x50x64xf32, #tpu.memory_space<vmem>> -> memref<1x50x64xf32, #tpu.memory_space<vmem>>
      %dma_wait3A_205 = tpu.memref_squeeze %dma_wait3A_204 : memref<1x50x64xf32, #tpu.memory_space<vmem>> -> memref<50x64xf32, #tpu.memory_space<vmem>>
      %dma_wait3A_206 = arith.constant 0 : i32
      %dma_wait3A_207 = tpu.memref_slice %arg5[%dma_wait3A_200, %dma_wait3A_206] : memref<512x128xi32, #tpu.memory_space<vmem>> -> memref<1x128xi32, #tpu.memory_space<vmem>>
      %dma_wait3A_208 = tpu.memref_squeeze %dma_wait3A_207 : memref<1x128xi32, #tpu.memory_space<vmem>> -> memref<128xi32, #tpu.memory_space<vmem>>
      %dma_wait3A_209 = arith.constant 0 : i32
      %dma_wait3A_210 = tpu.memref_slice %dma_wait3A_208[%dma_wait3A_209] : memref<128xi32, #tpu.memory_space<vmem>> -> memref<50xi32, #tpu.memory_space<vmem>>
      %dma_wait3A_211 = arith.constant 0 : i32
      %dma_wait3A_212 = arith.constant 0 : i32
      %dma_wait3A_213 = tpu.memref_slice %arg3[%dma_wait3A_211, %dma_wait3A_212] : memref<1000000x64xf32, #tpu.memory_space<hbm>> -> memref<1000000x64xf32, #tpu.memory_space<hbm>>
      tpu.wait_indirect_dma semaphore(%arg10 : memref<!tpu.dma_semaphore, #tpu.memory_space<semaphore_mem>>) src(%dma_wait3A_213 : memref<1000000x64xf32, #tpu.memory_space<hbm>>) dst(%dma_wait3A_205 : memref<50x64xf32, #tpu.memory_space<vmem>>)
      %add3A_214 = arith.addi %mul3A_2, %add3A_199 : i32
      %run_scoped3A_215 = arith.constant 3 : i32
      "tpu.region"() ({
        %run_scoped3A_331 = tpu.sem_alloc : memref<!tpu.dma_semaphore, #tpu.memory_space<semaphore_mem>>
        %dma_start3A_332 = arith.constant 0 : i32
        %dma_start3A_333 = arith.constant 0 : i32
        %dma_start3A_334 = tpu.memref_slice %arg6[%run_scoped3A_215, %dma_start3A_332, %dma_start3A_333] : memref<8x50x64xf32, #tpu.memory_space<vmem>> -> memref<1x50x64xf32, #tpu.memory_space<vmem>>
        %dma_start3A_335 = tpu.memref_squeeze %dma_start3A_334 : memref<1x50x64xf32, #tpu.memory_space<vmem>> -> memref<50x64xf32, #tpu.memory_space<vmem>>
        %dma_start3A_336 = arith.constant 0 : i32
        %dma_start3A_337 = arith.constant 0 : i32
        %dma_start3A_338 = tpu.memref_slice %arg4[%add3A_214, %dma_start3A_336, %dma_start3A_337] : memref<16384x50x64xf32, #tpu.memory_space<hbm>> -> memref<1x50x64xf32, #tpu.memory_space<hbm>>
        %dma_start3A_339 = tpu.memref_squeeze %dma_start3A_338 : memref<1x50x64xf32, #tpu.memory_space<hbm>> -> memref<50x64xf32, #tpu.memory_space<hbm>>
        %dma_start3A_340 = arith.constant 0 : i32
        %dma_start3A_341 = arith.constant 0 : i32
        %dma_start3A_342 = tpu.memref_slice %arg4[%add3A_214, %dma_start3A_340, %dma_start3A_341] : memref<16384x50x64xf32, #tpu.memory_space<hbm>> -> memref<1x50x64xf32, #tpu.memory_space<hbm>>
        %dma_start3A_343 = tpu.memref_squeeze %dma_start3A_342 : memref<1x50x64xf32, #tpu.memory_space<hbm>> -> memref<50x64xf32, #tpu.memory_space<hbm>>
        %dma_start3A_344 = arith.constant 0 : i32
        %dma_start3A_345 = arith.constant 0 : i32
        %dma_start3A_346 = tpu.memref_slice %arg6[%run_scoped3A_215, %dma_start3A_344, %dma_start3A_345] : memref<8x50x64xf32, #tpu.memory_space<vmem>> -> memref<1x50x64xf32, #tpu.memory_space<vmem>>
        %dma_start3A_347 = tpu.memref_squeeze %dma_start3A_346 : memref<1x50x64xf32, #tpu.memory_space<vmem>> -> memref<50x64xf32, #tpu.memory_space<vmem>>
        tpu.enqueue_dma source(%dma_start3A_347 : memref<50x64xf32, #tpu.memory_space<vmem>>) target(%dma_start3A_343 : memref<50x64xf32, #tpu.memory_space<hbm>>) target_semaphore(%run_scoped3A_331 : memref<!tpu.dma_semaphore, #tpu.memory_space<semaphore_mem>>)
        %dma_wait3A_348 = arith.constant 0 : i32
        %dma_wait3A_349 = arith.constant 0 : i32
        %dma_wait3A_350 = tpu.memref_slice %arg6[%run_scoped3A_215, %dma_wait3A_348, %dma_wait3A_349] : memref<8x50x64xf32, #tpu.memory_space<vmem>> -> memref<1x50x64xf32, #tpu.memory_space<vmem>>
        %dma_wait3A_351 = tpu.memref_squeeze %dma_wait3A_350 : memref<1x50x64xf32, #tpu.memory_space<vmem>> -> memref<50x64xf32, #tpu.memory_space<vmem>>
        %dma_wait3A_352 = arith.constant 0 : i32
        %dma_wait3A_353 = arith.constant 0 : i32
        %dma_wait3A_354 = tpu.memref_slice %arg4[%add3A_214, %dma_wait3A_352, %dma_wait3A_353] : memref<16384x50x64xf32, #tpu.memory_space<hbm>> -> memref<1x50x64xf32, #tpu.memory_space<hbm>>
        %dma_wait3A_355 = tpu.memref_squeeze %dma_wait3A_354 : memref<1x50x64xf32, #tpu.memory_space<hbm>> -> memref<50x64xf32, #tpu.memory_space<hbm>>
        %dma_wait3A_356 = arith.constant 0 : i32
        %dma_wait3A_357 = arith.constant 0 : i32
        %dma_wait3A_358 = tpu.memref_slice %arg4[%add3A_214, %dma_wait3A_356, %dma_wait3A_357] : memref<16384x50x64xf32, #tpu.memory_space<hbm>> -> memref<1x50x64xf32, #tpu.memory_space<hbm>>
        %dma_wait3A_359 = tpu.memref_squeeze %dma_wait3A_358 : memref<1x50x64xf32, #tpu.memory_space<hbm>> -> memref<50x64xf32, #tpu.memory_space<hbm>>
        %dma_wait3A_360 = arith.constant 0 : i32
        %dma_wait3A_361 = arith.constant 0 : i32
        %dma_wait3A_362 = tpu.memref_slice %arg6[%run_scoped3A_215, %dma_wait3A_360, %dma_wait3A_361] : memref<8x50x64xf32, #tpu.memory_space<vmem>> -> memref<1x50x64xf32, #tpu.memory_space<vmem>>
        %dma_wait3A_363 = tpu.memref_squeeze %dma_wait3A_362 : memref<1x50x64xf32, #tpu.memory_space<vmem>> -> memref<50x64xf32, #tpu.memory_space<vmem>>
        tpu.wait_dma2 semaphore(%run_scoped3A_331 : memref<!tpu.dma_semaphore, #tpu.memory_space<semaphore_mem>>) src(%dma_wait3A_363 : memref<50x64xf32, #tpu.memory_space<vmem>>) dst(%dma_wait3A_359 : memref<50x64xf32, #tpu.memory_space<hbm>>)
        tpu.yield
      }) : () -> ()
      %add3A_216 = arith.constant 8 : i32
      %add3A_217 = arith.addi %add3A_199, %add3A_216 : i32
      %lt3A_218 = arith.constant 512 : i32
      %lt3A_219 = arith.cmpi slt, %add3A_217, %lt3A_218 : i32
      %convert_element_type3A_220 = arith.extui %lt3A_219 : i1 to i32
      %cond3A_221 = arith.constant 0 : i32
      %cond3A_222 = arith.cmpi ne, %convert_element_type3A_220, %cond3A_221 : i32
      scf.if %cond3A_222 {
        %dma_start3A_331 = arith.constant 3 : i32
        %dma_start3A_332 = arith.constant 0 : i32
        %dma_start3A_333 = arith.constant 0 : i32
        %dma_start3A_334 = tpu.memref_slice %arg6[%dma_start3A_331, %dma_start3A_332, %dma_start3A_333] : memref<8x50x64xf32, #tpu.memory_space<vmem>> -> memref<1x50x64xf32, #tpu.memory_space<vmem>>
        %dma_start3A_335 = tpu.memref_squeeze %dma_start3A_334 : memref<1x50x64xf32, #tpu.memory_space<vmem>> -> memref<50x64xf32, #tpu.memory_space<vmem>>
        %dma_start3A_336 = arith.constant 0 : i32
        %dma_start3A_337 = tpu.memref_slice %arg5[%add3A_217, %dma_start3A_336] : memref<512x128xi32, #tpu.memory_space<vmem>> -> memref<1x128xi32, #tpu.memory_space<vmem>>
        %dma_start3A_338 = tpu.memref_squeeze %dma_start3A_337 : memref<1x128xi32, #tpu.memory_space<vmem>> -> memref<128xi32, #tpu.memory_space<vmem>>
        %dma_start3A_339 = arith.constant 0 : i32
        %dma_start3A_340 = tpu.memref_slice %dma_start3A_338[%dma_start3A_339] : memref<128xi32, #tpu.memory_space<vmem>> -> memref<50xi32, #tpu.memory_space<vmem>>
        %dma_start3A_341 = arith.constant 0 : i32
        %dma_start3A_342 = arith.constant 0 : i32
        %dma_start3A_343 = tpu.memref_slice %arg3[%dma_start3A_341, %dma_start3A_342] : memref<1000000x64xf32, #tpu.memory_space<hbm>> -> memref<1000000x64xf32, #tpu.memory_space<hbm>>
        tpu.enqueue_indirect_dma source(%dma_start3A_343 : memref<1000000x64xf32, #tpu.memory_space<hbm>>) target(%dma_start3A_335 : memref<50x64xf32, #tpu.memory_space<vmem>>) offsets(%dma_start3A_340 : memref<50xi32, #tpu.memory_space<vmem>>) semaphore(%arg10 : memref<!tpu.dma_semaphore, #tpu.memory_space<semaphore_mem>>)
      } else {
      }
      %mul3A_223 = arith.constant 8 : i32
      %mul3A_224 = arith.muli %scan3A_119, %mul3A_223 : i32
      %add3A_225 = arith.constant 4 : i32
      %add3A_226 = arith.addi %mul3A_224, %add3A_225 : i32
      %dma_wait3A_227 = arith.constant 0 : i32
      %dma_wait3A_228 = arith.constant 4 : i32
      %dma_wait3A_229 = arith.constant 0 : i32
      %dma_wait3A_230 = arith.constant 0 : i32
      %dma_wait3A_231 = tpu.memref_slice %arg6[%dma_wait3A_228, %dma_wait3A_229, %dma_wait3A_230] : memref<8x50x64xf32, #tpu.memory_space<vmem>> -> memref<1x50x64xf32, #tpu.memory_space<vmem>>
      %dma_wait3A_232 = tpu.memref_squeeze %dma_wait3A_231 : memref<1x50x64xf32, #tpu.memory_space<vmem>> -> memref<50x64xf32, #tpu.memory_space<vmem>>
      %dma_wait3A_233 = arith.constant 0 : i32
      %dma_wait3A_234 = tpu.memref_slice %arg5[%dma_wait3A_227, %dma_wait3A_233] : memref<512x128xi32, #tpu.memory_space<vmem>> -> memref<1x128xi32, #tpu.memory_space<vmem>>
      %dma_wait3A_235 = tpu.memref_squeeze %dma_wait3A_234 : memref<1x128xi32, #tpu.memory_space<vmem>> -> memref<128xi32, #tpu.memory_space<vmem>>
      %dma_wait3A_236 = arith.constant 0 : i32
      %dma_wait3A_237 = tpu.memref_slice %dma_wait3A_235[%dma_wait3A_236] : memref<128xi32, #tpu.memory_space<vmem>> -> memref<50xi32, #tpu.memory_space<vmem>>
      %dma_wait3A_238 = arith.constant 0 : i32
      %dma_wait3A_239 = arith.constant 0 : i32
      %dma_wait3A_240 = tpu.memref_slice %arg3[%dma_wait3A_238, %dma_wait3A_239] : memref<1000000x64xf32, #tpu.memory_space<hbm>> -> memref<1000000x64xf32, #tpu.memory_space<hbm>>
      tpu.wait_indirect_dma semaphore(%arg11 : memref<!tpu.dma_semaphore, #tpu.memory_space<semaphore_mem>>) src(%dma_wait3A_240 : memref<1000000x64xf32, #tpu.memory_space<hbm>>) dst(%dma_wait3A_232 : memref<50x64xf32, #tpu.memory_space<vmem>>)
      %add3A_241 = arith.addi %mul3A_2, %add3A_226 : i32
      %run_scoped3A_242 = arith.constant 4 : i32
      "tpu.region"() ({
        %run_scoped3A_331 = tpu.sem_alloc : memref<!tpu.dma_semaphore, #tpu.memory_space<semaphore_mem>>
        %dma_start3A_332 = arith.constant 0 : i32
        %dma_start3A_333 = arith.constant 0 : i32
        %dma_start3A_334 = tpu.memref_slice %arg6[%run_scoped3A_242, %dma_start3A_332, %dma_start3A_333] : memref<8x50x64xf32, #tpu.memory_space<vmem>> -> memref<1x50x64xf32, #tpu.memory_space<vmem>>
        %dma_start3A_335 = tpu.memref_squeeze %dma_start3A_334 : memref<1x50x64xf32, #tpu.memory_space<vmem>> -> memref<50x64xf32, #tpu.memory_space<vmem>>
        %dma_start3A_336 = arith.constant 0 : i32
        %dma_start3A_337 = arith.constant 0 : i32
        %dma_start3A_338 = tpu.memref_slice %arg4[%add3A_241, %dma_start3A_336, %dma_start3A_337] : memref<16384x50x64xf32, #tpu.memory_space<hbm>> -> memref<1x50x64xf32, #tpu.memory_space<hbm>>
        %dma_start3A_339 = tpu.memref_squeeze %dma_start3A_338 : memref<1x50x64xf32, #tpu.memory_space<hbm>> -> memref<50x64xf32, #tpu.memory_space<hbm>>
        %dma_start3A_340 = arith.constant 0 : i32
        %dma_start3A_341 = arith.constant 0 : i32
        %dma_start3A_342 = tpu.memref_slice %arg4[%add3A_241, %dma_start3A_340, %dma_start3A_341] : memref<16384x50x64xf32, #tpu.memory_space<hbm>> -> memref<1x50x64xf32, #tpu.memory_space<hbm>>
        %dma_start3A_343 = tpu.memref_squeeze %dma_start3A_342 : memref<1x50x64xf32, #tpu.memory_space<hbm>> -> memref<50x64xf32, #tpu.memory_space<hbm>>
        %dma_start3A_344 = arith.constant 0 : i32
        %dma_start3A_345 = arith.constant 0 : i32
        %dma_start3A_346 = tpu.memref_slice %arg6[%run_scoped3A_242, %dma_start3A_344, %dma_start3A_345] : memref<8x50x64xf32, #tpu.memory_space<vmem>> -> memref<1x50x64xf32, #tpu.memory_space<vmem>>
        %dma_start3A_347 = tpu.memref_squeeze %dma_start3A_346 : memref<1x50x64xf32, #tpu.memory_space<vmem>> -> memref<50x64xf32, #tpu.memory_space<vmem>>
        tpu.enqueue_dma source(%dma_start3A_347 : memref<50x64xf32, #tpu.memory_space<vmem>>) target(%dma_start3A_343 : memref<50x64xf32, #tpu.memory_space<hbm>>) target_semaphore(%run_scoped3A_331 : memref<!tpu.dma_semaphore, #tpu.memory_space<semaphore_mem>>)
        %dma_wait3A_348 = arith.constant 0 : i32
        %dma_wait3A_349 = arith.constant 0 : i32
        %dma_wait3A_350 = tpu.memref_slice %arg6[%run_scoped3A_242, %dma_wait3A_348, %dma_wait3A_349] : memref<8x50x64xf32, #tpu.memory_space<vmem>> -> memref<1x50x64xf32, #tpu.memory_space<vmem>>
        %dma_wait3A_351 = tpu.memref_squeeze %dma_wait3A_350 : memref<1x50x64xf32, #tpu.memory_space<vmem>> -> memref<50x64xf32, #tpu.memory_space<vmem>>
        %dma_wait3A_352 = arith.constant 0 : i32
        %dma_wait3A_353 = arith.constant 0 : i32
        %dma_wait3A_354 = tpu.memref_slice %arg4[%add3A_241, %dma_wait3A_352, %dma_wait3A_353] : memref<16384x50x64xf32, #tpu.memory_space<hbm>> -> memref<1x50x64xf32, #tpu.memory_space<hbm>>
        %dma_wait3A_355 = tpu.memref_squeeze %dma_wait3A_354 : memref<1x50x64xf32, #tpu.memory_space<hbm>> -> memref<50x64xf32, #tpu.memory_space<hbm>>
        %dma_wait3A_356 = arith.constant 0 : i32
        %dma_wait3A_357 = arith.constant 0 : i32
        %dma_wait3A_358 = tpu.memref_slice %arg4[%add3A_241, %dma_wait3A_356, %dma_wait3A_357] : memref<16384x50x64xf32, #tpu.memory_space<hbm>> -> memref<1x50x64xf32, #tpu.memory_space<hbm>>
        %dma_wait3A_359 = tpu.memref_squeeze %dma_wait3A_358 : memref<1x50x64xf32, #tpu.memory_space<hbm>> -> memref<50x64xf32, #tpu.memory_space<hbm>>
        %dma_wait3A_360 = arith.constant 0 : i32
        %dma_wait3A_361 = arith.constant 0 : i32
        %dma_wait3A_362 = tpu.memref_slice %arg6[%run_scoped3A_242, %dma_wait3A_360, %dma_wait3A_361] : memref<8x50x64xf32, #tpu.memory_space<vmem>> -> memref<1x50x64xf32, #tpu.memory_space<vmem>>
        %dma_wait3A_363 = tpu.memref_squeeze %dma_wait3A_362 : memref<1x50x64xf32, #tpu.memory_space<vmem>> -> memref<50x64xf32, #tpu.memory_space<vmem>>
        tpu.wait_dma2 semaphore(%run_scoped3A_331 : memref<!tpu.dma_semaphore, #tpu.memory_space<semaphore_mem>>) src(%dma_wait3A_363 : memref<50x64xf32, #tpu.memory_space<vmem>>) dst(%dma_wait3A_359 : memref<50x64xf32, #tpu.memory_space<hbm>>)
        tpu.yield
      }) : () -> ()
      %add3A_243 = arith.constant 8 : i32
      %add3A_244 = arith.addi %add3A_226, %add3A_243 : i32
      %lt3A_245 = arith.constant 512 : i32
      %lt3A_246 = arith.cmpi slt, %add3A_244, %lt3A_245 : i32
      %convert_element_type3A_247 = arith.extui %lt3A_246 : i1 to i32
      %cond3A_248 = arith.constant 0 : i32
      %cond3A_249 = arith.cmpi ne, %convert_element_type3A_247, %cond3A_248 : i32
      scf.if %cond3A_249 {
        %dma_start3A_331 = arith.constant 4 : i32
        %dma_start3A_332 = arith.constant 0 : i32
        %dma_start3A_333 = arith.constant 0 : i32
        %dma_start3A_334 = tpu.memref_slice %arg6[%dma_start3A_331, %dma_start3A_332, %dma_start3A_333] : memref<8x50x64xf32, #tpu.memory_space<vmem>> -> memref<1x50x64xf32, #tpu.memory_space<vmem>>
        %dma_start3A_335 = tpu.memref_squeeze %dma_start3A_334 : memref<1x50x64xf32, #tpu.memory_space<vmem>> -> memref<50x64xf32, #tpu.memory_space<vmem>>
        %dma_start3A_336 = arith.constant 0 : i32
        %dma_start3A_337 = tpu.memref_slice %arg5[%add3A_244, %dma_start3A_336] : memref<512x128xi32, #tpu.memory_space<vmem>> -> memref<1x128xi32, #tpu.memory_space<vmem>>
        %dma_start3A_338 = tpu.memref_squeeze %dma_start3A_337 : memref<1x128xi32, #tpu.memory_space<vmem>> -> memref<128xi32, #tpu.memory_space<vmem>>
        %dma_start3A_339 = arith.constant 0 : i32
        %dma_start3A_340 = tpu.memref_slice %dma_start3A_338[%dma_start3A_339] : memref<128xi32, #tpu.memory_space<vmem>> -> memref<50xi32, #tpu.memory_space<vmem>>
        %dma_start3A_341 = arith.constant 0 : i32
        %dma_start3A_342 = arith.constant 0 : i32
        %dma_start3A_343 = tpu.memref_slice %arg3[%dma_start3A_341, %dma_start3A_342] : memref<1000000x64xf32, #tpu.memory_space<hbm>> -> memref<1000000x64xf32, #tpu.memory_space<hbm>>
        tpu.enqueue_indirect_dma source(%dma_start3A_343 : memref<1000000x64xf32, #tpu.memory_space<hbm>>) target(%dma_start3A_335 : memref<50x64xf32, #tpu.memory_space<vmem>>) offsets(%dma_start3A_340 : memref<50xi32, #tpu.memory_space<vmem>>) semaphore(%arg11 : memref<!tpu.dma_semaphore, #tpu.memory_space<semaphore_mem>>)
      } else {
      }
      %mul3A_250 = arith.constant 8 : i32
      %mul3A_251 = arith.muli %scan3A_119, %mul3A_250 : i32
      %add3A_252 = arith.constant 5 : i32
      %add3A_253 = arith.addi %mul3A_251, %add3A_252 : i32
      %dma_wait3A_254 = arith.constant 0 : i32
      %dma_wait3A_255 = arith.constant 5 : i32
      %dma_wait3A_256 = arith.constant 0 : i32
      %dma_wait3A_257 = arith.constant 0 : i32
      %dma_wait3A_258 = tpu.memref_slice %arg6[%dma_wait3A_255, %dma_wait3A_256, %dma_wait3A_257] : memref<8x50x64xf32, #tpu.memory_space<vmem>> -> memref<1x50x64xf32, #tpu.memory_space<vmem>>
      %dma_wait3A_259 = tpu.memref_squeeze %dma_wait3A_258 : memref<1x50x64xf32, #tpu.memory_space<vmem>> -> memref<50x64xf32, #tpu.memory_space<vmem>>
      %dma_wait3A_260 = arith.constant 0 : i32
      %dma_wait3A_261 = tpu.memref_slice %arg5[%dma_wait3A_254, %dma_wait3A_260] : memref<512x128xi32, #tpu.memory_space<vmem>> -> memref<1x128xi32, #tpu.memory_space<vmem>>
      %dma_wait3A_262 = tpu.memref_squeeze %dma_wait3A_261 : memref<1x128xi32, #tpu.memory_space<vmem>> -> memref<128xi32, #tpu.memory_space<vmem>>
      %dma_wait3A_263 = arith.constant 0 : i32
      %dma_wait3A_264 = tpu.memref_slice %dma_wait3A_262[%dma_wait3A_263] : memref<128xi32, #tpu.memory_space<vmem>> -> memref<50xi32, #tpu.memory_space<vmem>>
      %dma_wait3A_265 = arith.constant 0 : i32
      %dma_wait3A_266 = arith.constant 0 : i32
      %dma_wait3A_267 = tpu.memref_slice %arg3[%dma_wait3A_265, %dma_wait3A_266] : memref<1000000x64xf32, #tpu.memory_space<hbm>> -> memref<1000000x64xf32, #tpu.memory_space<hbm>>
      tpu.wait_indirect_dma semaphore(%arg12 : memref<!tpu.dma_semaphore, #tpu.memory_space<semaphore_mem>>) src(%dma_wait3A_267 : memref<1000000x64xf32, #tpu.memory_space<hbm>>) dst(%dma_wait3A_259 : memref<50x64xf32, #tpu.memory_space<vmem>>)
      %add3A_268 = arith.addi %mul3A_2, %add3A_253 : i32
      %run_scoped3A_269 = arith.constant 5 : i32
      "tpu.region"() ({
        %run_scoped3A_331 = tpu.sem_alloc : memref<!tpu.dma_semaphore, #tpu.memory_space<semaphore_mem>>
        %dma_start3A_332 = arith.constant 0 : i32
        %dma_start3A_333 = arith.constant 0 : i32
        %dma_start3A_334 = tpu.memref_slice %arg6[%run_scoped3A_269, %dma_start3A_332, %dma_start3A_333] : memref<8x50x64xf32, #tpu.memory_space<vmem>> -> memref<1x50x64xf32, #tpu.memory_space<vmem>>
        %dma_start3A_335 = tpu.memref_squeeze %dma_start3A_334 : memref<1x50x64xf32, #tpu.memory_space<vmem>> -> memref<50x64xf32, #tpu.memory_space<vmem>>
        %dma_start3A_336 = arith.constant 0 : i32
        %dma_start3A_337 = arith.constant 0 : i32
        %dma_start3A_338 = tpu.memref_slice %arg4[%add3A_268, %dma_start3A_336, %dma_start3A_337] : memref<16384x50x64xf32, #tpu.memory_space<hbm>> -> memref<1x50x64xf32, #tpu.memory_space<hbm>>
        %dma_start3A_339 = tpu.memref_squeeze %dma_start3A_338 : memref<1x50x64xf32, #tpu.memory_space<hbm>> -> memref<50x64xf32, #tpu.memory_space<hbm>>
        %dma_start3A_340 = arith.constant 0 : i32
        %dma_start3A_341 = arith.constant 0 : i32
        %dma_start3A_342 = tpu.memref_slice %arg4[%add3A_268, %dma_start3A_340, %dma_start3A_341] : memref<16384x50x64xf32, #tpu.memory_space<hbm>> -> memref<1x50x64xf32, #tpu.memory_space<hbm>>
        %dma_start3A_343 = tpu.memref_squeeze %dma_start3A_342 : memref<1x50x64xf32, #tpu.memory_space<hbm>> -> memref<50x64xf32, #tpu.memory_space<hbm>>
        %dma_start3A_344 = arith.constant 0 : i32
        %dma_start3A_345 = arith.constant 0 : i32
        %dma_start3A_346 = tpu.memref_slice %arg6[%run_scoped3A_269, %dma_start3A_344, %dma_start3A_345] : memref<8x50x64xf32, #tpu.memory_space<vmem>> -> memref<1x50x64xf32, #tpu.memory_space<vmem>>
        %dma_start3A_347 = tpu.memref_squeeze %dma_start3A_346 : memref<1x50x64xf32, #tpu.memory_space<vmem>> -> memref<50x64xf32, #tpu.memory_space<vmem>>
        tpu.enqueue_dma source(%dma_start3A_347 : memref<50x64xf32, #tpu.memory_space<vmem>>) target(%dma_start3A_343 : memref<50x64xf32, #tpu.memory_space<hbm>>) target_semaphore(%run_scoped3A_331 : memref<!tpu.dma_semaphore, #tpu.memory_space<semaphore_mem>>)
        %dma_wait3A_348 = arith.constant 0 : i32
        %dma_wait3A_349 = arith.constant 0 : i32
        %dma_wait3A_350 = tpu.memref_slice %arg6[%run_scoped3A_269, %dma_wait3A_348, %dma_wait3A_349] : memref<8x50x64xf32, #tpu.memory_space<vmem>> -> memref<1x50x64xf32, #tpu.memory_space<vmem>>
        %dma_wait3A_351 = tpu.memref_squeeze %dma_wait3A_350 : memref<1x50x64xf32, #tpu.memory_space<vmem>> -> memref<50x64xf32, #tpu.memory_space<vmem>>
        %dma_wait3A_352 = arith.constant 0 : i32
        %dma_wait3A_353 = arith.constant 0 : i32
        %dma_wait3A_354 = tpu.memref_slice %arg4[%add3A_268, %dma_wait3A_352, %dma_wait3A_353] : memref<16384x50x64xf32, #tpu.memory_space<hbm>> -> memref<1x50x64xf32, #tpu.memory_space<hbm>>
        %dma_wait3A_355 = tpu.memref_squeeze %dma_wait3A_354 : memref<1x50x64xf32, #tpu.memory_space<hbm>> -> memref<50x64xf32, #tpu.memory_space<hbm>>
        %dma_wait3A_356 = arith.constant 0 : i32
        %dma_wait3A_357 = arith.constant 0 : i32
        %dma_wait3A_358 = tpu.memref_slice %arg4[%add3A_268, %dma_wait3A_356, %dma_wait3A_357] : memref<16384x50x64xf32, #tpu.memory_space<hbm>> -> memref<1x50x64xf32, #tpu.memory_space<hbm>>
        %dma_wait3A_359 = tpu.memref_squeeze %dma_wait3A_358 : memref<1x50x64xf32, #tpu.memory_space<hbm>> -> memref<50x64xf32, #tpu.memory_space<hbm>>
        %dma_wait3A_360 = arith.constant 0 : i32
        %dma_wait3A_361 = arith.constant 0 : i32
        %dma_wait3A_362 = tpu.memref_slice %arg6[%run_scoped3A_269, %dma_wait3A_360, %dma_wait3A_361] : memref<8x50x64xf32, #tpu.memory_space<vmem>> -> memref<1x50x64xf32, #tpu.memory_space<vmem>>
        %dma_wait3A_363 = tpu.memref_squeeze %dma_wait3A_362 : memref<1x50x64xf32, #tpu.memory_space<vmem>> -> memref<50x64xf32, #tpu.memory_space<vmem>>
        tpu.wait_dma2 semaphore(%run_scoped3A_331 : memref<!tpu.dma_semaphore, #tpu.memory_space<semaphore_mem>>) src(%dma_wait3A_363 : memref<50x64xf32, #tpu.memory_space<vmem>>) dst(%dma_wait3A_359 : memref<50x64xf32, #tpu.memory_space<hbm>>)
        tpu.yield
      }) : () -> ()
      %add3A_270 = arith.constant 8 : i32
      %add3A_271 = arith.addi %add3A_253, %add3A_270 : i32
      %lt3A_272 = arith.constant 512 : i32
      %lt3A_273 = arith.cmpi slt, %add3A_271, %lt3A_272 : i32
      %convert_element_type3A_274 = arith.extui %lt3A_273 : i1 to i32
      %cond3A_275 = arith.constant 0 : i32
      %cond3A_276 = arith.cmpi ne, %convert_element_type3A_274, %cond3A_275 : i32
      scf.if %cond3A_276 {
        %dma_start3A_331 = arith.constant 5 : i32
        %dma_start3A_332 = arith.constant 0 : i32
        %dma_start3A_333 = arith.constant 0 : i32
        %dma_start3A_334 = tpu.memref_slice %arg6[%dma_start3A_331, %dma_start3A_332, %dma_start3A_333] : memref<8x50x64xf32, #tpu.memory_space<vmem>> -> memref<1x50x64xf32, #tpu.memory_space<vmem>>
        %dma_start3A_335 = tpu.memref_squeeze %dma_start3A_334 : memref<1x50x64xf32, #tpu.memory_space<vmem>> -> memref<50x64xf32, #tpu.memory_space<vmem>>
        %dma_start3A_336 = arith.constant 0 : i32
        %dma_start3A_337 = tpu.memref_slice %arg5[%add3A_271, %dma_start3A_336] : memref<512x128xi32, #tpu.memory_space<vmem>> -> memref<1x128xi32, #tpu.memory_space<vmem>>
        %dma_start3A_338 = tpu.memref_squeeze %dma_start3A_337 : memref<1x128xi32, #tpu.memory_space<vmem>> -> memref<128xi32, #tpu.memory_space<vmem>>
        %dma_start3A_339 = arith.constant 0 : i32
        %dma_start3A_340 = tpu.memref_slice %dma_start3A_338[%dma_start3A_339] : memref<128xi32, #tpu.memory_space<vmem>> -> memref<50xi32, #tpu.memory_space<vmem>>
        %dma_start3A_341 = arith.constant 0 : i32
        %dma_start3A_342 = arith.constant 0 : i32
        %dma_start3A_343 = tpu.memref_slice %arg3[%dma_start3A_341, %dma_start3A_342] : memref<1000000x64xf32, #tpu.memory_space<hbm>> -> memref<1000000x64xf32, #tpu.memory_space<hbm>>
        tpu.enqueue_indirect_dma source(%dma_start3A_343 : memref<1000000x64xf32, #tpu.memory_space<hbm>>) target(%dma_start3A_335 : memref<50x64xf32, #tpu.memory_space<vmem>>) offsets(%dma_start3A_340 : memref<50xi32, #tpu.memory_space<vmem>>) semaphore(%arg12 : memref<!tpu.dma_semaphore, #tpu.memory_space<semaphore_mem>>)
      } else {
      }
      %mul3A_277 = arith.constant 8 : i32
      %mul3A_278 = arith.muli %scan3A_119, %mul3A_277 : i32
      %add3A_279 = arith.constant 6 : i32
      %add3A_280 = arith.addi %mul3A_278, %add3A_279 : i32
      %dma_wait3A_281 = arith.constant 0 : i32
      %dma_wait3A_282 = arith.constant 6 : i32
      %dma_wait3A_283 = arith.constant 0 : i32
      %dma_wait3A_284 = arith.constant 0 : i32
      %dma_wait3A_285 = tpu.memref_slice %arg6[%dma_wait3A_282, %dma_wait3A_283, %dma_wait3A_284] : memref<8x50x64xf32, #tpu.memory_space<vmem>> -> memref<1x50x64xf32, #tpu.memory_space<vmem>>
      %dma_wait3A_286 = tpu.memref_squeeze %dma_wait3A_285 : memref<1x50x64xf32, #tpu.memory_space<vmem>> -> memref<50x64xf32, #tpu.memory_space<vmem>>
      %dma_wait3A_287 = arith.constant 0 : i32
      %dma_wait3A_288 = tpu.memref_slice %arg5[%dma_wait3A_281, %dma_wait3A_287] : memref<512x128xi32, #tpu.memory_space<vmem>> -> memref<1x128xi32, #tpu.memory_space<vmem>>
      %dma_wait3A_289 = tpu.memref_squeeze %dma_wait3A_288 : memref<1x128xi32, #tpu.memory_space<vmem>> -> memref<128xi32, #tpu.memory_space<vmem>>
      %dma_wait3A_290 = arith.constant 0 : i32
      %dma_wait3A_291 = tpu.memref_slice %dma_wait3A_289[%dma_wait3A_290] : memref<128xi32, #tpu.memory_space<vmem>> -> memref<50xi32, #tpu.memory_space<vmem>>
      %dma_wait3A_292 = arith.constant 0 : i32
      %dma_wait3A_293 = arith.constant 0 : i32
      %dma_wait3A_294 = tpu.memref_slice %arg3[%dma_wait3A_292, %dma_wait3A_293] : memref<1000000x64xf32, #tpu.memory_space<hbm>> -> memref<1000000x64xf32, #tpu.memory_space<hbm>>
      tpu.wait_indirect_dma semaphore(%arg13 : memref<!tpu.dma_semaphore, #tpu.memory_space<semaphore_mem>>) src(%dma_wait3A_294 : memref<1000000x64xf32, #tpu.memory_space<hbm>>) dst(%dma_wait3A_286 : memref<50x64xf32, #tpu.memory_space<vmem>>)
      %add3A_295 = arith.addi %mul3A_2, %add3A_280 : i32
      %run_scoped3A_296 = arith.constant 6 : i32
      "tpu.region"() ({
        %run_scoped3A_331 = tpu.sem_alloc : memref<!tpu.dma_semaphore, #tpu.memory_space<semaphore_mem>>
        %dma_start3A_332 = arith.constant 0 : i32
        %dma_start3A_333 = arith.constant 0 : i32
        %dma_start3A_334 = tpu.memref_slice %arg6[%run_scoped3A_296, %dma_start3A_332, %dma_start3A_333] : memref<8x50x64xf32, #tpu.memory_space<vmem>> -> memref<1x50x64xf32, #tpu.memory_space<vmem>>
        %dma_start3A_335 = tpu.memref_squeeze %dma_start3A_334 : memref<1x50x64xf32, #tpu.memory_space<vmem>> -> memref<50x64xf32, #tpu.memory_space<vmem>>
        %dma_start3A_336 = arith.constant 0 : i32
        %dma_start3A_337 = arith.constant 0 : i32
        %dma_start3A_338 = tpu.memref_slice %arg4[%add3A_295, %dma_start3A_336, %dma_start3A_337] : memref<16384x50x64xf32, #tpu.memory_space<hbm>> -> memref<1x50x64xf32, #tpu.memory_space<hbm>>
        %dma_start3A_339 = tpu.memref_squeeze %dma_start3A_338 : memref<1x50x64xf32, #tpu.memory_space<hbm>> -> memref<50x64xf32, #tpu.memory_space<hbm>>
        %dma_start3A_340 = arith.constant 0 : i32
        %dma_start3A_341 = arith.constant 0 : i32
        %dma_start3A_342 = tpu.memref_slice %arg4[%add3A_295, %dma_start3A_340, %dma_start3A_341] : memref<16384x50x64xf32, #tpu.memory_space<hbm>> -> memref<1x50x64xf32, #tpu.memory_space<hbm>>
        %dma_start3A_343 = tpu.memref_squeeze %dma_start3A_342 : memref<1x50x64xf32, #tpu.memory_space<hbm>> -> memref<50x64xf32, #tpu.memory_space<hbm>>
        %dma_start3A_344 = arith.constant 0 : i32
        %dma_start3A_345 = arith.constant 0 : i32
        %dma_start3A_346 = tpu.memref_slice %arg6[%run_scoped3A_296, %dma_start3A_344, %dma_start3A_345] : memref<8x50x64xf32, #tpu.memory_space<vmem>> -> memref<1x50x64xf32, #tpu.memory_space<vmem>>
        %dma_start3A_347 = tpu.memref_squeeze %dma_start3A_346 : memref<1x50x64xf32, #tpu.memory_space<vmem>> -> memref<50x64xf32, #tpu.memory_space<vmem>>
        tpu.enqueue_dma source(%dma_start3A_347 : memref<50x64xf32, #tpu.memory_space<vmem>>) target(%dma_start3A_343 : memref<50x64xf32, #tpu.memory_space<hbm>>) target_semaphore(%run_scoped3A_331 : memref<!tpu.dma_semaphore, #tpu.memory_space<semaphore_mem>>)
        %dma_wait3A_348 = arith.constant 0 : i32
        %dma_wait3A_349 = arith.constant 0 : i32
        %dma_wait3A_350 = tpu.memref_slice %arg6[%run_scoped3A_296, %dma_wait3A_348, %dma_wait3A_349] : memref<8x50x64xf32, #tpu.memory_space<vmem>> -> memref<1x50x64xf32, #tpu.memory_space<vmem>>
        %dma_wait3A_351 = tpu.memref_squeeze %dma_wait3A_350 : memref<1x50x64xf32, #tpu.memory_space<vmem>> -> memref<50x64xf32, #tpu.memory_space<vmem>>
        %dma_wait3A_352 = arith.constant 0 : i32
        %dma_wait3A_353 = arith.constant 0 : i32
        %dma_wait3A_354 = tpu.memref_slice %arg4[%add3A_295, %dma_wait3A_352, %dma_wait3A_353] : memref<16384x50x64xf32, #tpu.memory_space<hbm>> -> memref<1x50x64xf32, #tpu.memory_space<hbm>>
        %dma_wait3A_355 = tpu.memref_squeeze %dma_wait3A_354 : memref<1x50x64xf32, #tpu.memory_space<hbm>> -> memref<50x64xf32, #tpu.memory_space<hbm>>
        %dma_wait3A_356 = arith.constant 0 : i32
        %dma_wait3A_357 = arith.constant 0 : i32
        %dma_wait3A_358 = tpu.memref_slice %arg4[%add3A_295, %dma_wait3A_356, %dma_wait3A_357] : memref<16384x50x64xf32, #tpu.memory_space<hbm>> -> memref<1x50x64xf32, #tpu.memory_space<hbm>>
        %dma_wait3A_359 = tpu.memref_squeeze %dma_wait3A_358 : memref<1x50x64xf32, #tpu.memory_space<hbm>> -> memref<50x64xf32, #tpu.memory_space<hbm>>
        %dma_wait3A_360 = arith.constant 0 : i32
        %dma_wait3A_361 = arith.constant 0 : i32
        %dma_wait3A_362 = tpu.memref_slice %arg6[%run_scoped3A_296, %dma_wait3A_360, %dma_wait3A_361] : memref<8x50x64xf32, #tpu.memory_space<vmem>> -> memref<1x50x64xf32, #tpu.memory_space<vmem>>
        %dma_wait3A_363 = tpu.memref_squeeze %dma_wait3A_362 : memref<1x50x64xf32, #tpu.memory_space<vmem>> -> memref<50x64xf32, #tpu.memory_space<vmem>>
        tpu.wait_dma2 semaphore(%run_scoped3A_331 : memref<!tpu.dma_semaphore, #tpu.memory_space<semaphore_mem>>) src(%dma_wait3A_363 : memref<50x64xf32, #tpu.memory_space<vmem>>) dst(%dma_wait3A_359 : memref<50x64xf32, #tpu.memory_space<hbm>>)
        tpu.yield
      }) : () -> ()
      %add3A_297 = arith.constant 8 : i32
      %add3A_298 = arith.addi %add3A_280, %add3A_297 : i32
      %lt3A_299 = arith.constant 512 : i32
      %lt3A_300 = arith.cmpi slt, %add3A_298, %lt3A_299 : i32
      %convert_element_type3A_301 = arith.extui %lt3A_300 : i1 to i32
      %cond3A_302 = arith.constant 0 : i32
      %cond3A_303 = arith.cmpi ne, %convert_element_type3A_301, %cond3A_302 : i32
      scf.if %cond3A_303 {
        %dma_start3A_331 = arith.constant 6 : i32
        %dma_start3A_332 = arith.constant 0 : i32
        %dma_start3A_333 = arith.constant 0 : i32
        %dma_start3A_334 = tpu.memref_slice %arg6[%dma_start3A_331, %dma_start3A_332, %dma_start3A_333] : memref<8x50x64xf32, #tpu.memory_space<vmem>> -> memref<1x50x64xf32, #tpu.memory_space<vmem>>
        %dma_start3A_335 = tpu.memref_squeeze %dma_start3A_334 : memref<1x50x64xf32, #tpu.memory_space<vmem>> -> memref<50x64xf32, #tpu.memory_space<vmem>>
        %dma_start3A_336 = arith.constant 0 : i32
        %dma_start3A_337 = tpu.memref_slice %arg5[%add3A_298, %dma_start3A_336] : memref<512x128xi32, #tpu.memory_space<vmem>> -> memref<1x128xi32, #tpu.memory_space<vmem>>
        %dma_start3A_338 = tpu.memref_squeeze %dma_start3A_337 : memref<1x128xi32, #tpu.memory_space<vmem>> -> memref<128xi32, #tpu.memory_space<vmem>>
        %dma_start3A_339 = arith.constant 0 : i32
        %dma_start3A_340 = tpu.memref_slice %dma_start3A_338[%dma_start3A_339] : memref<128xi32, #tpu.memory_space<vmem>> -> memref<50xi32, #tpu.memory_space<vmem>>
        %dma_start3A_341 = arith.constant 0 : i32
        %dma_start3A_342 = arith.constant 0 : i32
        %dma_start3A_343 = tpu.memref_slice %arg3[%dma_start3A_341, %dma_start3A_342] : memref<1000000x64xf32, #tpu.memory_space<hbm>> -> memref<1000000x64xf32, #tpu.memory_space<hbm>>
        tpu.enqueue_indirect_dma source(%dma_start3A_343 : memref<1000000x64xf32, #tpu.memory_space<hbm>>) target(%dma_start3A_335 : memref<50x64xf32, #tpu.memory_space<vmem>>) offsets(%dma_start3A_340 : memref<50xi32, #tpu.memory_space<vmem>>) semaphore(%arg13 : memref<!tpu.dma_semaphore, #tpu.memory_space<semaphore_mem>>)
      } else {
      }
      %mul3A_304 = arith.constant 8 : i32
      %mul3A_305 = arith.muli %scan3A_119, %mul3A_304 : i32
      %add3A_306 = arith.constant 7 : i32
      %add3A_307 = arith.addi %mul3A_305, %add3A_306 : i32
      %dma_wait3A_308 = arith.constant 0 : i32
      %dma_wait3A_309 = arith.constant 7 : i32
      %dma_wait3A_310 = arith.constant 0 : i32
      %dma_wait3A_311 = arith.constant 0 : i32
      %dma_wait3A_312 = tpu.memref_slice %arg6[%dma_wait3A_309, %dma_wait3A_310, %dma_wait3A_311] : memref<8x50x64xf32, #tpu.memory_space<vmem>> -> memref<1x50x64xf32, #tpu.memory_space<vmem>>
      %dma_wait3A_313 = tpu.memref_squeeze %dma_wait3A_312 : memref<1x50x64xf32, #tpu.memory_space<vmem>> -> memref<50x64xf32, #tpu.memory_space<vmem>>
      %dma_wait3A_314 = arith.constant 0 : i32
      %dma_wait3A_315 = tpu.memref_slice %arg5[%dma_wait3A_308, %dma_wait3A_314] : memref<512x128xi32, #tpu.memory_space<vmem>> -> memref<1x128xi32, #tpu.memory_space<vmem>>
      %dma_wait3A_316 = tpu.memref_squeeze %dma_wait3A_315 : memref<1x128xi32, #tpu.memory_space<vmem>> -> memref<128xi32, #tpu.memory_space<vmem>>
      %dma_wait3A_317 = arith.constant 0 : i32
      %dma_wait3A_318 = tpu.memref_slice %dma_wait3A_316[%dma_wait3A_317] : memref<128xi32, #tpu.memory_space<vmem>> -> memref<50xi32, #tpu.memory_space<vmem>>
      %dma_wait3A_319 = arith.constant 0 : i32
      %dma_wait3A_320 = arith.constant 0 : i32
      %dma_wait3A_321 = tpu.memref_slice %arg3[%dma_wait3A_319, %dma_wait3A_320] : memref<1000000x64xf32, #tpu.memory_space<hbm>> -> memref<1000000x64xf32, #tpu.memory_space<hbm>>
      tpu.wait_indirect_dma semaphore(%arg14 : memref<!tpu.dma_semaphore, #tpu.memory_space<semaphore_mem>>) src(%dma_wait3A_321 : memref<1000000x64xf32, #tpu.memory_space<hbm>>) dst(%dma_wait3A_313 : memref<50x64xf32, #tpu.memory_space<vmem>>)
      %add3A_322 = arith.addi %mul3A_2, %add3A_307 : i32
      %run_scoped3A_323 = arith.constant 7 : i32
      "tpu.region"() ({
        %run_scoped3A_331 = tpu.sem_alloc : memref<!tpu.dma_semaphore, #tpu.memory_space<semaphore_mem>>
        %dma_start3A_332 = arith.constant 0 : i32
        %dma_start3A_333 = arith.constant 0 : i32
        %dma_start3A_334 = tpu.memref_slice %arg6[%run_scoped3A_323, %dma_start3A_332, %dma_start3A_333] : memref<8x50x64xf32, #tpu.memory_space<vmem>> -> memref<1x50x64xf32, #tpu.memory_space<vmem>>
        %dma_start3A_335 = tpu.memref_squeeze %dma_start3A_334 : memref<1x50x64xf32, #tpu.memory_space<vmem>> -> memref<50x64xf32, #tpu.memory_space<vmem>>
        %dma_start3A_336 = arith.constant 0 : i32
        %dma_start3A_337 = arith.constant 0 : i32
        %dma_start3A_338 = tpu.memref_slice %arg4[%add3A_322, %dma_start3A_336, %dma_start3A_337] : memref<16384x50x64xf32, #tpu.memory_space<hbm>> -> memref<1x50x64xf32, #tpu.memory_space<hbm>>
        %dma_start3A_339 = tpu.memref_squeeze %dma_start3A_338 : memref<1x50x64xf32, #tpu.memory_space<hbm>> -> memref<50x64xf32, #tpu.memory_space<hbm>>
        %dma_start3A_340 = arith.constant 0 : i32
        %dma_start3A_341 = arith.constant 0 : i32
        %dma_start3A_342 = tpu.memref_slice %arg4[%add3A_322, %dma_start3A_340, %dma_start3A_341] : memref<16384x50x64xf32, #tpu.memory_space<hbm>> -> memref<1x50x64xf32, #tpu.memory_space<hbm>>
        %dma_start3A_343 = tpu.memref_squeeze %dma_start3A_342 : memref<1x50x64xf32, #tpu.memory_space<hbm>> -> memref<50x64xf32, #tpu.memory_space<hbm>>
        %dma_start3A_344 = arith.constant 0 : i32
        %dma_start3A_345 = arith.constant 0 : i32
        %dma_start3A_346 = tpu.memref_slice %arg6[%run_scoped3A_323, %dma_start3A_344, %dma_start3A_345] : memref<8x50x64xf32, #tpu.memory_space<vmem>> -> memref<1x50x64xf32, #tpu.memory_space<vmem>>
        %dma_start3A_347 = tpu.memref_squeeze %dma_start3A_346 : memref<1x50x64xf32, #tpu.memory_space<vmem>> -> memref<50x64xf32, #tpu.memory_space<vmem>>
        tpu.enqueue_dma source(%dma_start3A_347 : memref<50x64xf32, #tpu.memory_space<vmem>>) target(%dma_start3A_343 : memref<50x64xf32, #tpu.memory_space<hbm>>) target_semaphore(%run_scoped3A_331 : memref<!tpu.dma_semaphore, #tpu.memory_space<semaphore_mem>>)
        %dma_wait3A_348 = arith.constant 0 : i32
        %dma_wait3A_349 = arith.constant 0 : i32
        %dma_wait3A_350 = tpu.memref_slice %arg6[%run_scoped3A_323, %dma_wait3A_348, %dma_wait3A_349] : memref<8x50x64xf32, #tpu.memory_space<vmem>> -> memref<1x50x64xf32, #tpu.memory_space<vmem>>
        %dma_wait3A_351 = tpu.memref_squeeze %dma_wait3A_350 : memref<1x50x64xf32, #tpu.memory_space<vmem>> -> memref<50x64xf32, #tpu.memory_space<vmem>>
        %dma_wait3A_352 = arith.constant 0 : i32
        %dma_wait3A_353 = arith.constant 0 : i32
        %dma_wait3A_354 = tpu.memref_slice %arg4[%add3A_322, %dma_wait3A_352, %dma_wait3A_353] : memref<16384x50x64xf32, #tpu.memory_space<hbm>> -> memref<1x50x64xf32, #tpu.memory_space<hbm>>
        %dma_wait3A_355 = tpu.memref_squeeze %dma_wait3A_354 : memref<1x50x64xf32, #tpu.memory_space<hbm>> -> memref<50x64xf32, #tpu.memory_space<hbm>>
        %dma_wait3A_356 = arith.constant 0 : i32
        %dma_wait3A_357 = arith.constant 0 : i32
        %dma_wait3A_358 = tpu.memref_slice %arg4[%add3A_322, %dma_wait3A_356, %dma_wait3A_357] : memref<16384x50x64xf32, #tpu.memory_space<hbm>> -> memref<1x50x64xf32, #tpu.memory_space<hbm>>
        %dma_wait3A_359 = tpu.memref_squeeze %dma_wait3A_358 : memref<1x50x64xf32, #tpu.memory_space<hbm>> -> memref<50x64xf32, #tpu.memory_space<hbm>>
        %dma_wait3A_360 = arith.constant 0 : i32
        %dma_wait3A_361 = arith.constant 0 : i32
        %dma_wait3A_362 = tpu.memref_slice %arg6[%run_scoped3A_323, %dma_wait3A_360, %dma_wait3A_361] : memref<8x50x64xf32, #tpu.memory_space<vmem>> -> memref<1x50x64xf32, #tpu.memory_space<vmem>>
        %dma_wait3A_363 = tpu.memref_squeeze %dma_wait3A_362 : memref<1x50x64xf32, #tpu.memory_space<vmem>> -> memref<50x64xf32, #tpu.memory_space<vmem>>
        tpu.wait_dma2 semaphore(%run_scoped3A_331 : memref<!tpu.dma_semaphore, #tpu.memory_space<semaphore_mem>>) src(%dma_wait3A_363 : memref<50x64xf32, #tpu.memory_space<vmem>>) dst(%dma_wait3A_359 : memref<50x64xf32, #tpu.memory_space<hbm>>)
        tpu.yield
      }) : () -> ()
      %add3A_324 = arith.constant 8 : i32
      %add3A_325 = arith.addi %add3A_307, %add3A_324 : i32
      %lt3A_326 = arith.constant 512 : i32
      %lt3A_327 = arith.cmpi slt, %add3A_325, %lt3A_326 : i32
      %convert_element_type3A_328 = arith.extui %lt3A_327 : i1 to i32
      %cond3A_329 = arith.constant 0 : i32
      %cond3A_330 = arith.cmpi ne, %convert_element_type3A_328, %cond3A_329 : i32
      scf.if %cond3A_330 {
        %dma_start3A_331 = arith.constant 7 : i32
        %dma_start3A_332 = arith.constant 0 : i32
        %dma_start3A_333 = arith.constant 0 : i32
        %dma_start3A_334 = tpu.memref_slice %arg6[%dma_start3A_331, %dma_start3A_332, %dma_start3A_333] : memref<8x50x64xf32, #tpu.memory_space<vmem>> -> memref<1x50x64xf32, #tpu.memory_space<vmem>>
        %dma_start3A_335 = tpu.memref_squeeze %dma_start3A_334 : memref<1x50x64xf32, #tpu.memory_space<vmem>> -> memref<50x64xf32, #tpu.memory_space<vmem>>
        %dma_start3A_336 = arith.constant 0 : i32
        %dma_start3A_337 = tpu.memref_slice %arg5[%add3A_325, %dma_start3A_336] : memref<512x128xi32, #tpu.memory_space<vmem>> -> memref<1x128xi32, #tpu.memory_space<vmem>>
        %dma_start3A_338 = tpu.memref_squeeze %dma_start3A_337 : memref<1x128xi32, #tpu.memory_space<vmem>> -> memref<128xi32, #tpu.memory_space<vmem>>
        %dma_start3A_339 = arith.constant 0 : i32
        %dma_start3A_340 = tpu.memref_slice %dma_start3A_338[%dma_start3A_339] : memref<128xi32, #tpu.memory_space<vmem>> -> memref<50xi32, #tpu.memory_space<vmem>>
        %dma_start3A_341 = arith.constant 0 : i32
        %dma_start3A_342 = arith.constant 0 : i32
        %dma_start3A_343 = tpu.memref_slice %arg3[%dma_start3A_341, %dma_start3A_342] : memref<1000000x64xf32, #tpu.memory_space<hbm>> -> memref<1000000x64xf32, #tpu.memory_space<hbm>>
        tpu.enqueue_indirect_dma source(%dma_start3A_343 : memref<1000000x64xf32, #tpu.memory_space<hbm>>) target(%dma_start3A_335 : memref<50x64xf32, #tpu.memory_space<vmem>>) offsets(%dma_start3A_340 : memref<50xi32, #tpu.memory_space<vmem>>) semaphore(%arg14 : memref<!tpu.dma_semaphore, #tpu.memory_space<semaphore_mem>>)
      } else {
      }
    }
    %scan3A_118 = arith.constant 64 : i32
    return
  }
}

</mosaic_0001>

<sc_bundles>
// kernel: kernel.3.cloned.1.call-start
scs
__scs_entry_jumppad:
0x0: {  	(pc) =	sbr.rel $0x88, $3  }
0x1: {  	(tag) =	ssettag $0x0;
	lr =	simm.s32 $0x1  }
0x2: {  	[smem:$0x3F9F] =	sst lr;
	_ =	strace $0xD0000000  }
0x3: {  	_ = 	snop  }
0x4: {  	_ = 	snop  }
0x5: {  	_ = 	snop  }
0x6: {  	_ = 	snop  }
0x7: {  	_ = 	snop  }
__scs_overlays_trampoline_lowered:
0x8: {  	[smem:$0x3FAE] =	sst s0  }
0x9: {  	[smem:$0x3FAF] =	sst s1  }
0xa: {  	[smem:$0x3FB0] =	sst s2  }
0xb: {  	[smem:$0x3FB1] =	sst s3  }
0xc: {  	[smem:$0x3FB2] =	sst s4  }
0xd: {  	[smem:$0x3FB3] =	sst s5  }
0xe: {  	[smem:$0x3FB4] =	sst s6  }
0xf: {  	[smem:$0x3FB5] =	sst s7  }
0x10: {  	[smem:$0x3FB6] =	sst s8  }
0x11: {  	[smem:$0x3FB7] =	sst s9;
	s0 =	simm.s32 @!p0 $0x0  }
0x12: {  	s1 =	sld [smem:$0x3F9D];
	s0 =	simm.s32 @p0 $0x1  }
0x13: {  	[smem:$0x3FB8] =	sst s0;
	s0 =	simm.s32 @!p1 $0x0  }
0x14: {  	s2 =	sld [smem:$0x3F9C];
	s0 =	simm.s32 @p1 $0x1  }
0x15: {  	[smem:$0x3FB9] =	sst s0;
	s0 =	simm.s32 @!p2 $0x0  }
0x16: {  	s3 =	sld [smem:$0x3FDB];
	s0 =	simm.s32 @p2 $0x1  }
0x17: {  	s4 =	simm.s32 $0x1BF5;
	[smem:$0x3FBB] =	sst s0  }
0x18: {  	s0 =	sld [smem:$0x3F9E];
	_ =	swait.ge [sflag:s4], $0x0  }
0x19: {  	s7 =	sld [smem:$0x3F9F]  }
0x1a: {  	s8 =	sadd.s32 $0xFFFFE003, lr  }
0x1b: {  	s9 =	sadd.s32 $0xFFFFFEF7, lr;
	s5 =	simm.s32 $0xFFFFFFFF;
	p2 =	slt.u32 s8, $0xFFFFF086  }
0x1c: {  	p1 =	slt.u32 s9, $0xF7A;
	s5 =	simm.s32 @!p2 $0x0  }
0x1d: {  	s5 =	simm.s32 @p1 $0x1;
	p0 =	seq.s32 s7, s2  }
0x1e: {  	s7 =	smul.u32 @!p0 $0xF7A, s2;
	p2 =	seq.s32 @!p0 s5, $0x0  }
0x1f: {  	s9 =	smul.u32 $0xF7A, s1;
	s8 =	simm.s32 @!p0 $0x1BF5;
	p2 =	por !p2, p0  }
0x20: {  	[sflag:s8] =	ssyncset.s32 @!p0 $0xFFFFF086;
	s6 =	sadd.s32 @!p0 s3, s7;
	s7 =	simm.s32 @!p0 $0x108  }
0x21: {  	s3 =	sadd.s32 s3, s9;
	s6 =	sadd.s32 @!p0 $0x88, s6;
	s7 =	simm.s32 @p2 $0x1082  }
0x22: {  	[simem:s7], [sflag:s8] =	dma.local @!p0 [hbm:s6], $0xF7A  }
0x23: {  	s9 =	sor.u32 $0xD0000000, s2;
	s6 =	simm.s32 $0x108;
	_ =	swait.ge @!p0 [sflag:s8], $0x0  }
0x24: {  	s3 =	sadd.s32 $0x88, s3;
	s6 =	simm.s32 @!p1 $0x1082;
	[sflag:s4] =	ssyncset.s32 $0xFFFFF086  }
0x25: {  	[simem:s6], [sflag:s4] =	dma.local [hbm:s3], $0xF7A  }
0x26: {  	[smem:$0x3F9F] =	sst s1;
	(tag) =	ssettag s2;
	_ =	strace s9  }
0x27: {  	s1 =	sld [smem:$0x3FAF]  }
0x28: {  	s2 =	sld [smem:$0x3FB0]  }
0x29: {  	s4 =	sld [smem:$0x3FB2]  }
0x2a: {  	p0 =	seq.s32 s5, $0x0;
	s5 =	sld [smem:$0x3FB3]  }
0x2b: {  	s6 =	sld [smem:$0x3FB4]  }
0x2c: {  	s7 =	sld [smem:$0x3FB5]  }
0x2d: {  	s3 =	simm.s32 $0x108;
	s8 =	sld [smem:$0x3FB6]  }
0x2e: {  	s3 =	simm.s32 @!p0 $0x1082;
	s9 =	sld [smem:$0x3FB7]  }
0x2f: {  	lr =	sadd.s32 s0, s3;
	s0 =	sld [smem:$0x3FAE]  }
0x30: {  	s3 =	sld [smem:$0x3FB1]  }
0x31: {  	[smem:$0x3FBA] =	sst s10  }
0x32: {  	s10 =	sld [smem:$0x3FB8];
	_ =	sdelay $0x3  }
0x33: {  	p0 =	seq.s32 s10, $0x1;
	s10 =	sld [smem:$0x3FBA];
	_ =	sdelay $0x3  }
0x34: {  	[smem:$0x3FBA] =	sst s10  }
0x35: {  	s10 =	sld [smem:$0x3FB9];
	_ =	sdelay $0x3  }
0x36: {  	p1 =	seq.s32 s10, $0x1;
	s10 =	sld [smem:$0x3FBA];
	_ =	sdelay $0x3  }
0x37: {  	[smem:$0x3FBA] =	sst s10  }
0x38: {  	s10 =	sld [smem:$0x3FBB]  }
0x39: {  	_ = 	snop;
	(pc) =	sbr.ind lr, $3  }
0x3a: {  	_ = 	snop  }
0x3b: {  	_ = 	snop  }
0x3c: {  	p2 =	seq.s32 s10, $0x1;
	s10 =	sld [smem:$0x3FBA]  }
0x3d: {  	_ =	shalt  }
0x3e: {  	_ =	shalt  }
0x3f: {  	_ =	shalt  }
0x40: {  	_ =	shalt  }
0x41: {  	_ =	shalt  }
0x42: {  	_ =	shalt  }
0x43: {  	_ =	shalt  }
0x44: {  	_ =	shalt  }
0x45: {  	_ =	shalt  }
0x46: {  	_ =	shalt  }
0x47: {  	_ =	shalt  }
0x48: {  	_ =	shalt  }
0x49: {  	_ =	shalt  }
0x4a: {  	_ =	shalt  }
0x4b: {  	_ =	shalt  }
0x4c: {  	_ =	shalt  }
0x4d: {  	_ =	shalt  }
0x4e: {  	_ =	shalt  }
0x4f: {  	_ =	shalt  }
0x50: {  	_ =	shalt  }
0x51: {  	_ =	shalt  }
0x52: {  	_ =	shalt  }
0x53: {  	_ =	shalt  }
0x54: {  	_ =	shalt  }
0x55: {  	_ =	shalt  }
0x56: {  	_ =	shalt  }
0x57: {  	_ =	shalt  }
0x58: {  	_ =	shalt  }
0x59: {  	_ =	shalt  }
0x5a: {  	_ =	shalt  }
0x5b: {  	_ =	shalt  }
0x5c: {  	_ =	shalt  }
0x5d: {  	_ =	shalt  }
0x5e: {  	_ =	shalt  }
0x5f: {  	_ =	shalt  }
0x60: {  	_ =	shalt  }
0x61: {  	_ =	shalt  }
0x62: {  	_ =	shalt  }
0x63: {  	_ =	shalt  }
0x64: {  	_ =	shalt  }
0x65: {  	_ =	shalt  }
0x66: {  	_ =	shalt  }
0x67: {  	_ =	shalt  }
0x68: {  	_ =	shalt  }
0x69: {  	_ =	shalt  }
0x6a: {  	_ =	shalt  }
0x6b: {  	_ =	shalt  }
0x6c: {  	_ =	shalt  }
0x6d: {  	_ =	shalt  }
0x6e: {  	_ =	shalt  }
0x6f: {  	_ =	shalt  }
0x70: {  	_ =	shalt  }
0x71: {  	_ =	shalt  }
0x72: {  	_ =	shalt  }
0x73: {  	_ =	shalt  }
0x74: {  	_ =	shalt  }
0x75: {  	_ =	shalt  }
0x76: {  	_ =	shalt  }
0x77: {  	_ =	shalt  }
0x78: {  	_ =	shalt  }
0x79: {  	_ =	shalt  }
0x7a: {  	_ =	shalt  }
0x7b: {  	_ =	shalt  }
0x7c: {  	_ =	shalt  }
0x7d: {  	_ =	shalt  }
0x7e: {  	_ =	shalt  }
0x7f: {  	_ =	shalt  }
0x80: {  	_ =	shalt  }
0x81: {  	_ =	shalt  }
0x82: {  	_ =	shalt  }
0x83: {  	_ =	shalt  }
0x84: {  	_ =	shalt  }
0x85: {  	_ =	shalt  }
0x86: {  	_ =	shalt  }
0x87: {  	_ =	shalt  }
.Lfunc_end0:
.L_simem_size_0:
called_computation.1_lowered:
.L_overlay_start_0:
0x88: {  	s2 =	sld [smem:$0x3FD9]  }
0x89: {  	s3 =	sld [smem:$0x3FFE];
	_ =	sdelay $0x1  }
0x8a: {  	s1 =	srdreg.scid  }
0x8b: {  	s0 =	sand.u32 $0x1, s1  }
0x8c: {  	s17 =	sshll.u32 s0, $0xA;
	s2 =	sadd.s32 s3, s2  }
0x8d: {  	s2 =	sadd.s32 s2, s17  }
0x8e: {  	[smem:$0x3FC6] =	sst s2  }
0x8f: {  	_ = 	snop  }
0x90: {  	s2 =	sld [smem:$0x3FD0];
	(tm) =	ssettm $0x1  }
0x91: {  	s18 =	sld [smem:$0x3FFB];
	_ =	sdelay $0x3  }
0x92: {  	_ =	strace s18  }
0x93: {  	s3 =	sld [smem:$0x3FFC];
	_ =	sdelay $0x3  }
0x94: {  	_ =	strace s3  }
0x95: {  	s3 =	sld [smem:$0x3FFD];
	_ =	sdelay $0x3  }
0x96: {  	_ =	strace s3  }
0x97: {  	_ =	strace $0x8FFFFFFF  }
0x98: {  	s19 =	sld [smem:$0x3FDB];
	_ =	sdelay $0x1  }
0x99: {  	s4 =	simm.s32 $_scs_section_size  }
0x9a: {  	s5 =	simm.s32 $_size__tile_overlayer_lowered;
	s6 =	simm.s32 $_tile_overlayer_lowered  }
0x9b: {  	s22 =	simm.s32 $0x1BFF;
	s21 =	sshll.u32 s6, $0x1;
	s3 =	sadd.s32 s4, s19  }
0x9c: {  	s7 =	simm.s32 $0x0;
	s20 =	sshll.u32 s5, $0x1;
	s5 =	sadd.s32 s21, s3  }
0x9d: {  	[timem:s7], [sflag:s22] =	dma.local [hbm:s5], s20  }
0x9e: {  	_ =	swait.ge [sflag:s22], s20  }
0x9f: {  	s4 =	ssub.s32 $0x0, s20;
	[sflag:s22] =	ssyncset.done $0x0  }
0xa0: {  	[sflag:s22] =	ssyncadd.s32 s4;
	_ =	sdelay $0x1  }
0xa1: {  	s23 =	simm.s32 $0x1B8B  }
0xa2: {  	_ =	swait.ge [sflag:s23], $0x1  }
0xa3: {  	[sflag:s23] =	ssyncset.done $0x0  }
0xa4: {  	s25 =	simm.s32 $0x1B8E;
	s24 =	sld [smem:$0x3FFE];
	[sflag:s23] =	ssyncadd.s32 $0xFFFFFFFF  }
0xa5: {  	s26 =	simm.s32 $execute0_lowered;
	[smem:$0x3FD2] =	sst s25  }
0xa6: {  	s5 =	sshll.u32 s26, $0x1;
	_ =	strace $0x80000046;
	[dreg:$0x1] =	wrdreg $0xFFFFFFFF  }
0xa7: {  	s28 =	simm.s32 $_size_execute0_lowered;
	s3 =	sadd.s32 s3, s5;
	[dreg:$0x0] =	wrdreg $0x0  }
0xa8: {  	s5 =	sshll.u32 s28, $0x1;
	[dreg:$0x2] =	wrdreg s3  }
0xa9: {  	[dreg:$0x3] =	wrdreg s5  }
0xaa: {  	[dreg:$0x4] =	wrdreg $0xC0  }
0xab: {  	_ =	task [dreg:s7], $0x5FFFF  }
0xac: {  	[dreg:$0x1] =	wrdreg $0xFFFFFFFF  }
0xad: {  	[dreg:$0x0] =	wrdreg $0x60  }
0xae: {  	[dreg:$0x2] =	wrdreg s24  }
0xaf: {  	[dreg:$0x3] =	wrdreg s2  }
0xb0: {  	[dreg:$0x4] =	wrdreg $0x9  }
0xb1: {  	_ =	task.clear_ibuf [dreg:s7], $0x5FFFF;
	_ =	strace $0x90000046  }
0xb2: {  	s29 =	simm.s32 $0x9;
	_ =	strace $0x80000048  }
0xb3: {  	_ =	swait.ge [sflag:s29], $0x1  }
0xb4: {  	[sflag:s29] =	ssyncadd.s32 $0xFFFFFFFF  }
0xb5: {  	_ =	strace $0x90000048  }
0xb6: {  	_ =	sfence  }
0xb7: {  	s30 =	sld [smem:$0x0];
	_ =	sdelay $0x2  }
0xb8: {  	s31 =	sshll.u32 s1, $0xD;
	s1 =	sshrl.u32 s1, $0x2  }
0xb9: {  	s3 =	sand.u32 $0x4000, s31;
	s1 =	sadd.s32 s1, s30  }
0xba: {  	s0 =	sor.u32 s3, s0;
	s1 =	sshll.u32 s1, $0x11  }
0xbb: {  	s0 =	sor.u32 s1, s0  }
0xbc: {  	s0 =	sadd.s32 $0x8F2B, s0  }
0xbd: {  	[sflag:s0] =	ssyncadd.remote.s32 $0x1  }
0xbe: {  	_ =	sfence.sel $0xFFFF  }
0xbf: {  	[dreg:$0x0] =	wrdreg $0xFFFFFFFF;
	(pc) =	sbr.abs _section_cstart, $3  }
0xc0: {  	[dreg:$0x1] =	wrdreg $0xFFFFFFFF  }
0xc1: {  	_ =	task.clear_ibuf [dreg:s7], $0x2FFFF;
	_ =	strace $0x9FFFFFFF  }
0xc2: {  	(tm) =	ssettm $0x7FFFFFFF  }
0xc3: {  	_ =	shalt  }
tec
execute0_lowered:
.L_overlay_start_1:
0x0: {  	(tag) =	ssettag $0x1  }
0x1: {  	s0 =	rddreg [dreg:$0x0]  }
0x2: {  	s1 =	rddreg [dreg:$0x1];
	s3 =	srdreg.scid;
	s2 =	simm.s32 $0x0  }
0x3: {  	s8 =	stileid.u32;
	s9 =	simm.s32 $0x10000;
	s11 =	simm.s32 $0x10C80  }
0x4: {  	s13 =	simm.s32 $0x11900;
	s15 =	simm.s32 $0x12580;
	s17 =	simm.s32 $0x13200  }
0x5: {  	s19 =	simm.s32 $0x13E80;
	s21 =	simm.s32 $0x14B00;
	s28 =	simm.s32 $0x4  }
0x6: {  	s29 =	simm.s32 $0x5;
	s30 =	simm.s32 $0x6;
	s31 =	simm.s32 $0x7  }
0x7: {  	s4 =	sand.u32 $0x1, s3;
	[smem:$0x7FF] =	sst s2;
	s22 =	sshll.u32 s8, $0xE  }
0x8: {  	s8 =	smul.u32 $0x64000, s8;
	s5 =	sshll.u32 s4, $0xD;
	_ =	strace $0x80000047  }
0x9: {  	s23 =	ssub.s32 $0x2, s4;
	s25 =	smul.u32 $0x32000, s4;
	s3 =	sor.u32 s5, s22  }
0xa: {  	s7 =	sshrl.u32 s23, $0x1;
	s26 =	sadd.s32 s8, s1;
	s8 =	simm.s32 $0x32  }
.Ltmp0:
0xb: {  	s22 =	simm.s32 $0x380;
	s1 =	simm.s32 $0x0;
	(pc) =	sbr.rel .LBB2_1-.Ltmp0, $4  }
0xc: {  	s6 =	sadd.s32 s3, s0;
	s3 =	sadd.s32 $0xF42E00, s0;
	s24 =	ssub.s32 s23, s7  }
0xd: {  	s10 =	sadd.s32 s25, s26;
	s7 =	simm.s32 $0x9;
	s23 =	simm.s32 $0x15780  }
0xe: {  	s25 =	simm.s32 $0x2;
	s26 =	simm.s32 $0x3;
	s0 =	simm.s32 $0x8  }
0xf: {  	s4 =	sadd.s32 $0xA00, s6;
	s5 =	smax.u32 s24, $0x1;
	s24 =	simm.s32 $0x1  }
.LBB2_4:
0x10: {  	s1 =	sadd.s32 $0x1, s1  }
0x11: {  	p0 =	sne.s32 s1, s5  }
.Ltmp1:
0x12: {  	_ = 	snop;
	(pc) =	sbr.rel @!p0 .LBB2_5-.Ltmp1, $1  }
0x13: {  	_ =	sdelay $0x3  }
.LBB2_1:
0x14: {  	[tilespmem:s2], [sflag:$0x9] =	stream.linear.gather [hbm4b:s4+s2], $0x10000, $0x38;
	[tilespmem:$0x16400] =	vst v63  }
0x15: {  	_ =	swait.ge [sflag:s7], $0x10000  }
0x16: {  	[sflag:s7] =	ssyncset.done $0x0  }
0x17: {  	[sflag:s7] =	ssyncadd.s32 $0xFFFF0000  }
0x18: {  	[tilespmem:s9], [sflag:$0x1] =	stream.indirect.gather [hbm4b:s3+s8], $0x40, s2, s8, $0xb8;
	[tilespmem:$0x16400] =	vst v63  }
0x19: {  	s6 =	simm.s32 $0x80  }
0x1a: {  	[tilespmem:s11], [sflag:$0x2] =	stream.indirect.gather [hbm4b:s3+s8], $0x40, s6, s8, $0xb8;
	[tilespmem:$0x16400] =	vst v63  }
0x1b: {  	s12 =	simm.s32 $0x100  }
0x1c: {  	[tilespmem:s13], [sflag:$0x3] =	stream.indirect.gather [hbm4b:s3+s8], $0x40, s12, s8, $0xb8;
	[tilespmem:$0x16400] =	vst v63  }
0x1d: {  	s14 =	simm.s32 $0x180  }
0x1e: {  	[tilespmem:s15], [sflag:$0x4] =	stream.indirect.gather [hbm4b:s3+s8], $0x40, s14, s8, $0xb8;
	[tilespmem:$0x16400] =	vst v63  }
0x1f: {  	s16 =	simm.s32 $0x200  }
0x20: {  	[tilespmem:s17], [sflag:$0x5] =	stream.indirect.gather [hbm4b:s3+s8], $0x40, s16, s8, $0xb8;
	[tilespmem:$0x16400] =	vst v63  }
0x21: {  	s18 =	simm.s32 $0x280  }
0x22: {  	[tilespmem:s19], [sflag:$0x6] =	stream.indirect.gather [hbm4b:s3+s8], $0x40, s18, s8, $0xb8;
	[tilespmem:$0x16400] =	vst v63  }
0x23: {  	s20 =	simm.s32 $0x300  }
0x24: {  	[tilespmem:s21], [sflag:$0x7] =	stream.indirect.gather [hbm4b:s3+s8], $0x40, s20, s8, $0xb8;
	[tilespmem:$0x16400] =	vst v63  }
0x25: {  	s6 =	smov.u32 s10;
	s12 =	simm.s32 $0x0  }
0x26: {  	[tilespmem:s23], [sflag:$0x8] =	stream.indirect.gather [hbm4b:s3+s8], $0x40, s22, s8, $0xb8;
	[tilespmem:$0x16400] =	vst v63  }
.LBB2_2:
0x27: {  	_ =	swait.ge [sflag:s24], $0xC80  }
0x28: {  	[sflag:s24] =	ssyncset.done $0x0  }
0x29: {  	[sflag:s24] =	ssyncadd.s32 $0xFFFFF380  }
0x2a: {  	[hbm4b:s6+s2] =	stream.linear.scatter [tilespmem:s9], [sflag:$0x9], $0xC80, $0x38;
	[tilespmem:$0x16400] =	vst v63  }
0x2b: {  	p0 =	seq.s32 s12, $0x3F000;
	_ =	swait.ge [sflag:s7], $0xC80  }
0x2c: {  	s14 =	sshra.s32 @!p0 s12, $0x2;
	s16 =	simm.s32 @!p0 $0x32;
	[sflag:s7] =	ssyncset.done $0x0  }
0x2d: {  	s20 =	simm.s32 @!p0 $0x10000;
	s18 =	sadd.s32 @!p0 $0x400, s14;
	[sflag:s7] =	ssyncadd.s32 $0xFFFFF380  }
0x2e: {  	[tilespmem:s20], [sflag:$0x1] =	stream.indirect.gather @!p0 [hbm4b:s3+s16], $0x40, s18, s16, $0xb8;
	[tilespmem:$0x16400] =	vst v63  }
0x2f: {  	_ =	swait.ge [sflag:s25], $0xC80  }
0x30: {  	[sflag:s25] =	ssyncset.done $0x0  }
0x31: {  	s20 =	sadd.s32 $0x190, s6;
	[sflag:s25] =	ssyncadd.s32 $0xFFFFF380  }
0x32: {  	[hbm4b:s20+s2] =	stream.linear.scatter [tilespmem:s11], [sflag:$0x9], $0xC80, $0x38;
	[tilespmem:$0x16400] =	vst v63  }
0x33: {  	_ =	swait.ge [sflag:s7], $0xC80  }
0x34: {  	[sflag:s7] =	ssyncset.done $0x0  }
0x35: {  	s18 =	sadd.s32 @!p0 $0x480, s14;
	s20 =	simm.s32 @!p0 $0x10C80;
	[sflag:s7] =	ssyncadd.s32 $0xFFFFF380  }
0x36: {  	[tilespmem:s20], [sflag:$0x2] =	stream.indirect.gather @!p0 [hbm4b:s3+s16], $0x40, s18, s16, $0xb8;
	[tilespmem:$0x16400] =	vst v63  }
0x37: {  	_ =	swait.ge [sflag:s26], $0xC80  }
0x38: {  	[sflag:s26] =	ssyncset.done $0x0  }
0x39: {  	s20 =	sadd.s32 $0x320, s6;
	[sflag:s26] =	ssyncadd.s32 $0xFFFFF380  }
0x3a: {  	[hbm4b:s20+s2] =	stream.linear.scatter [tilespmem:s13], [sflag:$0x9], $0xC80, $0x38;
	[tilespmem:$0x16400] =	vst v63  }
0x3b: {  	_ =	swait.ge [sflag:s7], $0xC80  }
0x3c: {  	[sflag:s7] =	ssyncset.done $0x0  }
0x3d: {  	s18 =	sadd.s32 @!p0 $0x500, s14;
	s20 =	simm.s32 @!p0 $0x11900;
	[sflag:s7] =	ssyncadd.s32 $0xFFFFF380  }
0x3e: {  	[tilespmem:s20], [sflag:$0x3] =	stream.indirect.gather @!p0 [hbm4b:s3+s16], $0x40, s18, s16, $0xb8;
	[tilespmem:$0x16400] =	vst v63  }
0x3f: {  	_ =	swait.ge [sflag:s28], $0xC80  }
0x40: {  	[sflag:s28] =	ssyncset.done $0x0  }
0x41: {  	s20 =	sadd.s32 $0x4B0, s6;
	[sflag:s28] =	ssyncadd.s32 $0xFFFFF380  }
0x42: {  	[hbm4b:s20+s2] =	stream.linear.scatter [tilespmem:s15], [sflag:$0x9], $0xC80, $0x38;
	[tilespmem:$0x16400] =	vst v63  }
0x43: {  	_ =	swait.ge [sflag:s7], $0xC80  }
0x44: {  	[sflag:s7] =	ssyncset.done $0x0  }
0x45: {  	s18 =	sadd.s32 @!p0 $0x580, s14;
	s20 =	simm.s32 @!p0 $0x12580;
	[sflag:s7] =	ssyncadd.s32 $0xFFFFF380  }
0x46: {  	[tilespmem:s20], [sflag:$0x4] =	stream.indirect.gather @!p0 [hbm4b:s3+s16], $0x40, s18, s16, $0xb8;
	[tilespmem:$0x16400] =	vst v63  }
0x47: {  	_ =	swait.ge [sflag:s29], $0xC80  }
0x48: {  	[sflag:s29] =	ssyncset.done $0x0  }
0x49: {  	s20 =	sadd.s32 $0x640, s6;
	[sflag:s29] =	ssyncadd.s32 $0xFFFFF380  }
0x4a: {  	[hbm4b:s20+s2] =	stream.linear.scatter [tilespmem:s17], [sflag:$0x9], $0xC80, $0x38;
	[tilespmem:$0x16400] =	vst v63  }
0x4b: {  	_ =	swait.ge [sflag:s7], $0xC80  }
0x4c: {  	[sflag:s7] =	ssyncset.done $0x0  }
0x4d: {  	s18 =	sadd.s32 @!p0 $0x600, s14;
	s20 =	simm.s32 @!p0 $0x13200;
	[sflag:s7] =	ssyncadd.s32 $0xFFFFF380  }
0x4e: {  	[tilespmem:s20], [sflag:$0x5] =	stream.indirect.gather @!p0 [hbm4b:s3+s16], $0x40, s18, s16, $0xb8;
	[tilespmem:$0x16400] =	vst v63  }
0x4f: {  	_ =	swait.ge [sflag:s30], $0xC80  }
0x50: {  	[sflag:s30] =	ssyncset.done $0x0  }
0x51: {  	s20 =	sadd.s32 $0x7D0, s6;
	[sflag:s30] =	ssyncadd.s32 $0xFFFFF380  }
0x52: {  	[hbm4b:s20+s2] =	stream.linear.scatter [tilespmem:s19], [sflag:$0x9], $0xC80, $0x38;
	[tilespmem:$0x16400] =	vst v63  }
0x53: {  	_ =	swait.ge [sflag:s7], $0xC80  }
0x54: {  	[sflag:s7] =	ssyncset.done $0x0  }
0x55: {  	s18 =	sadd.s32 @!p0 $0x680, s14;
	s20 =	simm.s32 @!p0 $0x13E80;
	[sflag:s7] =	ssyncadd.s32 $0xFFFFF380  }
0x56: {  	[tilespmem:s20], [sflag:$0x6] =	stream.indirect.gather @!p0 [hbm4b:s3+s16], $0x40, s18, s16, $0xb8;
	[tilespmem:$0x16400] =	vst v63  }
0x57: {  	_ =	swait.ge [sflag:s31], $0xC80  }
0x58: {  	[sflag:s31] =	ssyncset.done $0x0  }
0x59: {  	s20 =	sadd.s32 $0x960, s6;
	[sflag:s31] =	ssyncadd.s32 $0xFFFFF380  }
0x5a: {  	[hbm4b:s20+s2] =	stream.linear.scatter [tilespmem:s21], [sflag:$0x9], $0xC80, $0x38;
	[tilespmem:$0x16400] =	vst v63  }
0x5b: {  	_ =	swait.ge [sflag:s7], $0xC80  }
0x5c: {  	[sflag:s7] =	ssyncset.done $0x0  }
0x5d: {  	s14 =	sadd.s32 @!p0 $0x700, s14;
	s18 =	simm.s32 @!p0 $0x14B00;
	[sflag:s7] =	ssyncadd.s32 $0xFFFFF380  }
0x5e: {  	[tilespmem:s18], [sflag:$0x7] =	stream.indirect.gather @!p0 [hbm4b:s3+s16], $0x40, s14, s16, $0xb8;
	[tilespmem:$0x16400] =	vst v63  }
0x5f: {  	_ =	swait.ge [sflag:s0], $0xC80  }
0x60: {  	[sflag:s0] =	ssyncset.done $0x0  }
.Ltmp2:
0x61: {  	s20 =	sadd.s32 $0xAF0, s6;
	[sflag:s0] =	ssyncadd.s32 $0xFFFFF380;
	(pc) =	sbr.rel @p0 .LBB2_4-.Ltmp2, $4  }
0x62: {  	[hbm4b:s20+s2] =	stream.linear.scatter [tilespmem:s23], [sflag:$0x9], $0xC80, $0x38;
	[tilespmem:$0x16400] =	vst v63  }
0x63: {  	_ =	swait.ge [sflag:s7], $0xC80  }
0x64: {  	[sflag:s7] =	ssyncset.done $0x0  }
0x65: {  	[sflag:s7] =	ssyncadd.s32 $0xFFFFF380  }
.Ltmp3:
0x66: {  	(pc) =	sbr.rel .LBB2_2-.Ltmp3, $4  }
0x67: {  	_ = 	snop  }
0x68: {  	s14 =	sshra.s32 s12, $0x2  }
0x69: {  	s12 =	sadd.s32 $0x1000, s12;
	s6 =	sadd.s32 $0xC80, s6;
	s14 =	sadd.s32 $0x780, s14  }
0x6a: {  	[tilespmem:s23], [sflag:$0x8] =	stream.indirect.gather [hbm4b:s3+s8], $0x40, s14, s8, $0xb8;
	[tilespmem:$0x16400] =	vst v63  }
.LBB2_5:
0x6b: {  	_ =	sfence.sel $0x180000  }
0x6c: {  	[bflag:$0x0] =	sbarrier.arrive $0xFFFF  }
0x6d: {  	_ =	strace $0x90000047  }
0x6e: {  	s0 =	stileid.u32;
	[bflag:$0x2] =	sbarrier.arrive $0xFFFF  }
0x6f: {  	p0 =	sne.s32 s0, $0x0;
	s0 =	rddreg [dreg:$0x2]  }
0x70: {  	s0 =	sadd.s32 @!p0 $0x100000, s0  }
0x71: {  	[sflag:s0] =	ssyncadd.tile.s32 @!p0 $0x1;
	_ =	shalt  }
.Lfunc_end2:
_tile_overlayer_lowered:
.L_overlay_start_2:
0x72: {  	(tag) =	ssettag $0x2  }
0x73: {  	s0 =	rddreg [dreg:$0x0];
	s2 =	stileid.u32  }
0x74: {  	s1 =	rddreg [dreg:$0x1];
	p0 =	sne.s32 s2, $0x0  }
0x75: {  	s3 =	rddreg [dreg:$0x2];
	[bflag:$0x3] =	sbarrier.arrive $0xFFFF;
	s2 =	simm.s32 @!p0 $0x1C09  }
0x76: {  	[timem:s3], [sflag:s2] =	dma.local @!p0 [hbm:s0], s1  }
0x77: {  	s0 =	simm.s32 @!p0 $0x9  }
0x78: {  	_ =	swait.ge @!p0 [sflag:s0], s1  }
0x79: {  	s1 =	ssub.s32 @!p0 $0x0, s1;
	[sflag:s0] =	ssyncset.done @!p0 $0x0  }
0x7a: {  	[sflag:s0] =	ssyncadd.s32 @!p0 s1  }
0x7b: {  	[bflag:$0x3] =	sbarrier.arrive $0xFFFF  }
0x7c: {  	_ =	shalt  }

// kernel: sparse-core-data-format-call.cloned.1.call-start
scs
called_computation_lowered:
.L_overlay_start_0:
0x0: {  	s2 =	sld [smem:$0x3FD9]  }
0x1: {  	s3 =	sld [smem:$0x3FFE];
	_ =	sdelay $0x1  }
0x2: {  	s1 =	srdreg.scid  }
0x3: {  	s0 =	sand.u32 $0x1, s1  }
0x4: {  	s18 =	sshll.u32 s0, $0xA;
	s2 =	sadd.s32 s3, s2  }
0x5: {  	s2 =	sadd.s32 s2, s18  }
0x6: {  	[smem:$0x3FC6] =	sst s2  }
0x7: {  	_ = 	snop  }
0x8: {  	s2 =	sld [smem:$0x3FD0];
	(tm) =	ssettm $0x1  }
0x9: {  	s19 =	sld [smem:$0x3FFB];
	_ =	sdelay $0x3  }
0xa: {  	_ =	strace s19  }
0xb: {  	s3 =	sld [smem:$0x3FFC];
	_ =	sdelay $0x3  }
0xc: {  	_ =	strace s3  }
0xd: {  	s3 =	sld [smem:$0x3FFD];
	_ =	sdelay $0x3  }
0xe: {  	_ =	strace s3  }
0xf: {  	_ =	strace $0x8FFFFFFF  }
0x10: {  	s20 =	sld [smem:$0x3FDB];
	_ =	sdelay $0x1  }
0x11: {  	s4 =	simm.s32 $_scs_section_size  }
0x12: {  	s5 =	simm.s32 $_size__tile_overlayer_lowered;
	s6 =	simm.s32 $_tile_overlayer_lowered  }
0x13: {  	s23 =	simm.s32 $0x1BFF;
	s22 =	sshll.u32 s6, $0x1;
	s3 =	sadd.s32 s4, s20  }
0x14: {  	s7 =	simm.s32 $0x0;
	s21 =	sshll.u32 s5, $0x1;
	s5 =	sadd.s32 s22, s3  }
0x15: {  	[timem:s7], [sflag:s23] =	dma.local [hbm:s5], s21  }
0x16: {  	_ =	swait.ge [sflag:s23], s21  }
0x17: {  	s4 =	ssub.s32 $0x0, s21;
	[sflag:s23] =	ssyncset.done $0x0  }
0x18: {  	[sflag:s23] =	ssyncadd.s32 s4;
	_ =	sdelay $0x1  }
0x19: {  	s24 =	simm.s32 $0x1B8B  }
0x1a: {  	_ =	swait.ge [sflag:s24], $0x1  }
0x1b: {  	[sflag:s24] =	ssyncset.done $0x0  }
0x1c: {  	s26 =	simm.s32 $0x1B8E;
	s25 =	sld [smem:$0x3FFE];
	[sflag:s24] =	ssyncadd.s32 $0xFFFFFFFF  }
0x1d: {  	s27 =	simm.s32 $execute0_lowered;
	[smem:$0x3FD2] =	sst s26  }
0x1e: {  	s5 =	sshll.u32 s27, $0x1;
	_ =	strace $0x80000049;
	[dreg:$0x1] =	wrdreg $0xFFFFFFFF  }
0x1f: {  	s28 =	simm.s32 $_size_execute0_lowered;
	s3 =	sadd.s32 s3, s5;
	[dreg:$0x0] =	wrdreg $0x0  }
0x20: {  	s5 =	sshll.u32 s28, $0x1;
	[dreg:$0x2] =	wrdreg s3  }
0x21: {  	[dreg:$0x3] =	wrdreg s5  }
0x22: {  	[dreg:$0x4] =	wrdreg $0xC0  }
0x23: {  	_ =	task [dreg:s7], $0x5FFFF  }
0x24: {  	[dreg:$0x1] =	wrdreg $0xFFFFFFFF  }
0x25: {  	[dreg:$0x0] =	wrdreg $0x60  }
0x26: {  	[dreg:$0x2] =	wrdreg s25  }
0x27: {  	[dreg:$0x3] =	wrdreg s2  }
0x28: {  	[dreg:$0x4] =	wrdreg $0x9  }
0x29: {  	_ =	task.clear_ibuf [dreg:s7], $0x5FFFF;
	_ =	strace $0x90000049  }
0x2a: {  	s29 =	simm.s32 $0x9;
	_ =	strace $0x8000004B  }
0x2b: {  	_ =	swait.ge [sflag:s29], $0x1  }
0x2c: {  	[sflag:s29] =	ssyncadd.s32 $0xFFFFFFFF  }
0x2d: {  	_ =	strace $0x9000004B  }
0x2e: {  	_ =	sfence  }
0x2f: {  	s30 =	sld [smem:$0x0];
	_ =	sdelay $0x2  }
0x30: {  	s31 =	sshll.u32 s1, $0xD;
	s1 =	sshrl.u32 s1, $0x2  }
0x31: {  	s3 =	sand.u32 $0x4000, s31;
	s1 =	sadd.s32 s1, s30  }
0x32: {  	s0 =	sor.u32 s3, s0;
	s1 =	sshll.u32 s1, $0x11  }
0x33: {  	s0 =	sor.u32 s1, s0  }
0x34: {  	s0 =	sadd.s32 $0x8F2B, s0  }
0x35: {  	[sflag:s0] =	ssyncadd.remote.s32 $0x1  }
0x36: {  	_ =	sfence.sel $0xFFFF  }
0x37: {  	[dreg:$0x0] =	wrdreg $0xFFFFFFFF;
	(pc) =	sbr.abs _section_cstart, $3  }
0x38: {  	[dreg:$0x1] =	wrdreg $0xFFFFFFFF  }
0x39: {  	_ =	task.clear_ibuf [dreg:s7], $0x2FFFF;
	_ =	strace $0x9FFFFFFF  }
0x3a: {  	(tm) =	ssettm $0x7FFFFFFF  }
0x3b: {  	_ =	shalt  }
tec
execute0_lowered:
.L_overlay_start_1:
0x0: {  	(tag) =	ssettag $0x1  }
0x1: {  	s0 =	srdreg.scid  }
0x2: {  	s1 =	sshll.u32 s0, $0x4  }
0x3: {  	s0 =	stileid.u32;
	s1 =	sand.u32 $0x10, s1  }
0x4: {  	s1 =	sor.u32 s0, s1  }
0x5: {  	s6 =	rddreg [dreg:$0x0];
	s4 =	simm.s32 $0x1;
	s2 =	sshll.u32 s1, $0x7  }
0x6: {  	s7 =	simm.s32 $0x2;
	s12 =	simm.s32 $0x0;
	s1 =	ssub.s32 $0x4000, s2  }
0x7: {  	s8 =	simm.s32 $0x20000;
	s13 =	simm.s32 $0x0;
	s3 =	sand.u32 $0xF80, s1  }
0x8: {  	s9 =	simm.s32 $0x0;
	s5 =	sshrl.u32 s1, $0xC;
	p0 =	sne.s32 s3, $0x0  }
.Ltmp0:
0x9: {  	s1 =	rddreg [dreg:$0x2];
	s4 =	simm.s32 @!p0 $0x0;
	(pc) =	sbr.rel .LBB1_1-.Ltmp0, $4  }
0xa: {  	s11 =	simm.s32 $0x0;
	s3 =	rddreg [dreg:$0x1];
	s5 =	sadd.s32 s4, s5  }
0xb: {  	_ =	strace $0x8000004A;
	s4 =	simm.s32 $0x1;
	s5 =	smul.u32 $0x32, s5  }
0xc: {  	s6 =	sadd.s32 $0xA00, s6;
	s10 =	smov.u32 s2;
	[sflag:s4] =	ssyncpa.u1 $0x0  }
0xd: {  	p0 =	por $0x0, $0x0;
	[sflag:s7] =	ssyncpa.u1 $0x0;
	s7 =	sor.u32 $0x1, s5  }
.LBB1_4:
0xe: {  	s16 =	sshll.u32 s13, $0x3;
	s17 =	sand.u32 $0x78, s13  }
0xf: {  	s30 =	sand.u32 $0x1F800, s13;
	s12 =	sshll.u32 s12, $0x11;
	s16 =	sand.u32 $0x3C00, s16  }
0x10: {  	[tilespmem:s15+$0x810 ss:$0x81] =	vst.msk $0xffff, v2;
	s31 =	sand.u32 $0x7, s13;
	s16 =	sor.u32 s17, s16;
	s17 =	sadd.s32 s3, s30  }
0x11: {  	[tilespmem:s15+$0x1020 ss:$0x81] =	vst.msk $0xffff, v0;
	s13 =	sshll.u32 s31, $0x12;
	s12 =	sadd.s32 s12, s17;
	s16 =	sshrl.u32 s16, $0x3  }
0x12: {  	[tilespmem:s15+$0x0 ss:$0x81] =	vst.msk $0xffff, v1;
	s13 =	sor.u32 $0x400, s13;
	s12 =	sadd.s32 s16, s12  }
0x13: {  	[hbm4b:s12+s13] =	stream.strided.scatter [tilespmem:s14], [sflag:$0x2], $0x2000, s8, s13, $0x20;
	[tilespmem:$0x8080] =	vst v63  }
.LBB1_5:
0x14: {  	s14 =	sadd.s32 $0x1, s9  }
0x15: {  	s12 =	sadd.s32 $0x1000, s10;
	s16 =	smov.u32 s10;
	p2 =	sgt.s32 s14, $0x31  }
0x16: {  	s16 =	smov.u32 @p2 s12  }
0x17: {  	s14 =	simm.s32 @p2 $0x0;
	p2 =	sgt.s32 s16, $0x3FFF  }
0x18: {  	s16 =	smov.u32 @p2 s2;
	p2 =	sne.s32 s11, s7  }
.Ltmp1:
0x19: {  	p1 =	slt.u32 s11, $0x2;
	(pc) =	sbr.rel @!p2 .LBB1_6-.Ltmp1, $4  }
0x1a: {  	s15 =	simm.s32 @!p1 $0x2  }
0x1b: {  	s13 =	smov.u32 s10;
	p0 =	por !p0, !p0;
	_ =	swait.ge @!p1 [sflag:s15], $0x2000  }
0x1c: {  	s12 =	smov.u32 s9;
	[sflag:s15] =	ssyncset.done @!p1 $0x0;
	s9 =	smov.u32 s14  }
0x1d: {  	s11 =	sadd.s32 $0x1, s11;
	[sflag:s15] =	ssyncadd.s32 @!p1 $0xFFFFE000;
	s10 =	smov.u32 s16  }
.LBB1_1:
0x1e: {  	p1 =	sge.u32 s11, s5  }
0x1f: {  	s14 =	sand.u32 @!p1 $0x1FFFFFF, s9  }
0x20: {  	s15 =	smulhi.u32 @!p1 $0x4924925, s14;
	_ =	sdelay $0x1  }
0x21: {  	s15 =	smul.u32 @!p1 $0x38, s15  }
0x22: {  	s16 =	sxor.u32 @!p1 $0xFFFFFFFF, s11;
	s17 =	smul.u32 @!p1 $0x380, s10  }
0x23: {  	s31 =	sadd.s32 $0xFFFFFFFF, s11;
	s16 =	sshll.u32 @!p1 s16, $0xD;
	s14 =	ssub.s32 @!p1 s14, s15  }
0x24: {  	s15 =	sand.u32 @!p1 $0x2000, s16;
	s16 =	sadd.s32 @!p1 s6, s17;
	s14 =	sshll.u32 @!p1 s14, $0x4  }
0x25: {  	s17 =	simm.s32 @!p1 $0x1C00;
	s14 =	sadd.s32 @!p1 s14, s16;
	s16 =	simm.s32 @!p1 $0x40  }
0x26: {  	[tilespmem:s15], [sflag:$0x1] =	stream.strided.gather @!p1 [hbm4b:s14+s16], $0x2000, s17, s16, $0x38;
	[tilespmem:$0x8080] =	vst v63  }
0x27: {  	p1 =	sge.u32 s31, s5  }
.Ltmp2:
0x28: {  	_ = 	snop;
	(pc) =	sbr.rel @p1 .LBB1_5-.Ltmp2, $1  }
0x29: {  	_ =	sdelay $0x3  }
0x2a: {  	s14 =	simm.s32 $0x1  }
0x2b: {  	_ =	swait.ge [sflag:s4], $0x2000;
	s14 =	simm.s32 @!p0 $0x0  }
0x2c: {  	[sflag:s4] =	ssyncset.done $0x0;
	s15 =	sshll.u32 s14, $0xD  }
0x2d: {  	[sflag:s4] =	ssyncadd.s32 $0xFFFFE000;
	s18 =	sor.u32 $0x20, s15  }
0x2e: {  	s14 =	smul.u32 $0x8100, s14;
	v3 =	vld [tilespmem:s18+$0x10]  }
0x2f: {  	s30 =	sand.u32 $0x1, s11;
	v2 =	vld [tilespmem:s18+$0xFFFFFFF0]  }
0x30: {  	s15 =	smul.u32 $0x8100, s30;
	s14 =	sshrl.u32 s14, $0x2;
	v0 =	vld [tilespmem:s18+$0x0]  }
0x31: {  	v1 =	vld [tilespmem:s18+$0xFFFFFFE0];
	s16 =	sor.u32 $0x4000, s14  }
0x32: {  	s31 =	sshrl.u32 s15, $0x2;
	s15 =	sadd.s32 $0x0, s16  }
0x33: {  	s17 =	simm.s32 $0x4;
	s18 =	sadd.s32 $0x40, s18;
	s14 =	sor.u32 $0x4000, s31;
	[tilespmem:s15+$0x1830 ss:$0x81] =	vst.msk $0xffff, v3  }
.LBB1_3:
0x34: {  	v3 =	vld [tilespmem:s18+$0x10];
	p1 =	sne.s32 s17, $0x1FC;
	[tilespmem:s15+$0x810 ss:$0x81] =	vst.msk $0xffff, v2;
	s19 =	smov.u32 s17;
	s17 =	sadd.s32 $0x4, s17  }
.Ltmp3:
0x35: {  	v2 =	vld [tilespmem:s18+$0xFFFFFFF0];
	[tilespmem:s15+$0x1020 ss:$0x81] =	vst.msk $0xffff, v0;
	(pc) =	sbr.rel @p1 .LBB1_3-.Ltmp3, $4  }
0x36: {  	v0 =	vld [tilespmem:s18+$0x0];
	[tilespmem:s15+$0x0 ss:$0x81] =	vst.msk $0xffff, v1  }
0x37: {  	s15 =	sshra.s32 s19, $0x2;
	v1 =	vld [tilespmem:s18+$0xFFFFFFE0]  }
0x38: {  	s15 =	sadd.s32 s15, s16  }
0x39: {  	s18 =	sadd.s32 $0x40, s18;
	[tilespmem:s15+$0x1830 ss:$0x81] =	vst.msk $0xffff, v3  }
.Ltmp4:
0x3a: {  	_ = 	snop;
	(pc) =	sbr.rel .LBB1_4-.Ltmp4, $1  }
0x3b: {  	_ =	sdelay $0x3  }
.LBB1_6:
0x3c: {  	_ =	sfence.sel $0x180000  }
0x3d: {  	s2 =	simm.s32 $0x1;
	[bflag:$0x0] =	sbarrier.arrive $0xFFFF  }
0x3e: {  	s31 =	simm.s32 $0x2;
	[sflag:s2] =	ssyncpa.u1 $0x1  }
0x3f: {  	[sflag:s31] =	ssyncpa.u1 $0x1  }
0x40: {  	p0 =	sne.s32 s0, $0x0;
	_ =	strace $0x9000004A  }
0x41: {  	s0 =	sadd.s32 @!p0 $0x100000, s1;
	[bflag:$0x2] =	sbarrier.arrive $0xFFFF  }
0x42: {  	[sflag:s0] =	ssyncadd.tile.s32 @!p0 $0x1;
	_ =	shalt  }
.Lfunc_end1:
_tile_overlayer_lowered:
.L_overlay_start_2:
0x43: {  	(tag) =	ssettag $0x2  }
0x44: {  	s0 =	rddreg [dreg:$0x0];
	s2 =	stileid.u32  }
0x45: {  	s1 =	rddreg [dreg:$0x1];
	p0 =	sne.s32 s2, $0x0  }
0x46: {  	s3 =	rddreg [dreg:$0x2];
	[bflag:$0x3] =	sbarrier.arrive $0xFFFF;
	s2 =	simm.s32 @!p0 $0x1C01  }
0x47: {  	[timem:s3], [sflag:s2] =	dma.local @!p0 [hbm:s0], s1  }
0x48: {  	s0 =	simm.s32 @!p0 $0x1  }
0x49: {  	_ =	swait.ge @!p0 [sflag:s0], s1  }
0x4a: {  	s1 =	ssub.s32 @!p0 $0x0, s1;
	[sflag:s0] =	ssyncset.done @!p0 $0x0  }
0x4b: {  	[sflag:s0] =	ssyncadd.s32 @!p0 s1  }
0x4c: {  	[bflag:$0x3] =	sbarrier.arrive $0xFFFF  }
0x4d: {  	_ =	shalt  }

</sc_bundles>
